<compile_context>
chip_gen: v7x
topology: tpu7x:2x2x1
jax: 0.10.2.dev20260603
libtpu: 0.0.44.dev20260713+nightly
codegen_flags: <defaults>
</compile_context>

<pallas_src>
import functools

import jax
import jax.numpy as jnp
from jax import lax
from jax.experimental import pallas as pl
from jax.experimental.pallas import tpu as pltpu
from jax.experimental.pallas import tpu_sc as plsc

_LANES = 16
_CHUNK = 128


def _sc_gather_sum(text, table, n_bags):
    T = text.shape[0]
    V, D = table.shape
    info = plsc.get_sparse_core_info()
    NC, NS = info.num_cores, info.num_subcores
    NW = NC * NS

    assert n_bags % (NW * _CHUNK) == 0
    assert (T - n_bags) % (NW * _CHUNK) == 0
    assert D % _LANES == 0
    p1_chunks = n_bags // (NW * _CHUNK)
    p2_chunks = (T - n_bags) // (NW * _CHUNK)
    p1_per_w = p1_chunks * _CHUNK
    p2_per_w = p2_chunks * _CHUNK
    n_vec = D // _LANES
    NBUF = 4
    assert p2_chunks % NBUF == 0

    mesh = plsc.VectorSubcoreMesh(core_axis_name="c", subcore_axis_name="s")

    @functools.partial(
        pl.kernel,
        mesh=mesh,
        out_type=(
            jax.ShapeDtypeStruct((n_bags, D), jnp.float32),
            jax.ShapeDtypeStruct((NW, D), jnp.float32),
        ),
        scratch_types=[
            pltpu.VMEM((p1_per_w,), jnp.int32),
            pltpu.VMEM((p2_per_w,), jnp.int32),
            pltpu.VMEM((NBUF, _CHUNK, D), jnp.float32),
            pltpu.VMEM((D,), jnp.float32),
            [pltpu.SemaphoreType.DMA] * NBUF,
        ],
        compiler_params=pltpu.CompilerParams(use_tc_tiling_on_sc=False),
    )
    def sc_kernel(text_hbm, table_hbm, gath_hbm, part_hbm,
                  idx1_v, idx2_v, rows_v, acc_v, sems):
        wid = lax.axis_index("s") * NC + lax.axis_index("c")
        base2 = n_bags + wid * p2_per_w

        pltpu.sync_copy(text_hbm.at[pl.ds(wid * p1_per_w, p1_per_w)], idx1_v)
        pltpu.sync_copy(text_hbm.at[pl.ds(base2, p2_per_w)], idx2_v)

        def issue(idx_ref, c, b):
            pltpu.async_copy(
                table_hbm.at[idx_ref.at[pl.ds(c * _CHUNK, _CHUNK)]],
                rows_v.at[b], sems[b])

        def drain(b):
            pltpu.make_async_copy(
                table_hbm.at[pl.ds(0, _CHUNK)], rows_v.at[b], sems[b]).wait()

        def p1_body(c, carry):
            issue(idx1_v, c, 0)
            drain(0)
            pltpu.sync_copy(
                rows_v.at[0], gath_hbm.at[pl.ds(wid * p1_per_w + c * _CHUNK, _CHUNK)])
            return carry

        lax.fori_loop(0, p1_chunks, p1_body, 0)

        for b in range(NBUF):
            issue(idx2_v, b, b)

        def ring_body(cc, accs):
            for b in range(NBUF):
                c = cc * NBUF + b
                drain(b)

                def row_body(i, accs):
                    for rr in range(4):
                        r = i * 4 + rr
                        accs = tuple(
                            accs[k] + rows_v[b, r, pl.ds(k * _LANES, _LANES)]
                            for k in range(n_vec)
                        )
                    return accs

                accs = lax.fori_loop(0, _CHUNK // 4, row_body, accs)

                @pl.when(c + NBUF < p2_chunks)
                def _():
                    issue(idx2_v, c + NBUF, b)
            return accs

        zero = jnp.zeros((_LANES,), jnp.float32)
        accs = lax.fori_loop(0, p2_chunks // NBUF, ring_body, (zero,) * n_vec)
        for k in range(n_vec):
            acc_v[pl.ds(k * _LANES, _LANES)] = accs[k]
        pltpu.sync_copy(acc_v, part_hbm.at[wid])

    return sc_kernel(text, table)


def _tc_head(gathered, partials, wt, b2, n_big):
    n_bags, D = gathered.shape
    C = wt.shape[1]
    blk = 1024
    grid = n_bags // blk

    def tc_kernel(x_ref, part_ref, wt_ref, b_ref, o_ref):
        o_ref[...] = (
            jnp.dot(x_ref[...], wt_ref[...], preferred_element_type=jnp.float32)
            + b_ref[...]
        )

        @pl.when(pl.program_id(0) == pl.num_programs(0) - 1)
        def _():
            big = (
                jnp.sum(part_ref[...], axis=0, keepdims=True)
                + x_ref[pl.ds(blk - 1, 1), :]
            ) * (1.0 / n_big)
            o_ref[pl.ds(blk - 1, 1), :] = (
                jnp.dot(big, wt_ref[...], preferred_element_type=jnp.float32)
                + b_ref[...]
            )

    return pl.pallas_call(
        tc_kernel,
        grid=(grid,),
        in_specs=[
            pl.BlockSpec((blk, D), lambda i: (i, 0)),
            pl.BlockSpec(partials.shape, lambda i: (0, 0)),
            pl.BlockSpec(wt.shape, lambda i: (0, 0)),
            pl.BlockSpec(b2.shape, lambda i: (0, 0)),
        ],
        out_specs=pl.BlockSpec((blk, C), lambda i: (i, 0)),
        out_shape=jax.ShapeDtypeStruct((n_bags, C), jnp.float32),
    )(gathered, partials, wt, b2)


def kernel(text, offsets, table, W, b):
    n_bags = offsets.shape[0]
    T = text.shape[0]
    n_big = T - n_bags + 1
    gathered, partials = _sc_gather_sum(text, table, n_bags)
    return _tc_head(gathered, partials, W.T, b[None, :], n_big)

# --- scband reference (transcript-rebuilt; emitter-appended) ---
"""Pipeline reference for scband-text-classification-model-54554674594327 (READ-ONLY COPY).

The authoritative reference and input builder live on the scoring server;
editing this copy changes nothing except your own understanding.
"""

import jax, jax.numpy as jnp
import numpy as np

V = 1000000
D = 64
B = 16384
T = 819200
C = 16


def setup_inputs(seed: int = 0) -> dict:
    key = jax.random.key(seed)
    k1, k2, k3 = jax.random.split(key, 3)
    text = jax.random.randint(k1, (T,), 0, V, dtype=jnp.int32)
    offsets = jnp.arange(B, dtype=jnp.int32)
    # learned params sized per init_kwargs, init like the torch module (uniform +/-0.5)
    table = jax.random.uniform(k2, (V, D), dtype=jnp.float32, minval=-0.5, maxval=0.5)
    W = jax.random.uniform(k3, (C, D), dtype=jnp.float32, minval=-0.5, maxval=0.5)
    b = jnp.zeros((C,), dtype=jnp.float32)
    return {"text": text, "offsets": offsets, "table": table, "W": W, "b": b}


def reference(text, offsets, table, W, b):
    # nn.EmbeddingBag default mode='mean': gather rows, mean-reduce per bag, then linear head
    nt = text.shape[0]
    nb = offsets.shape[0]
    # map each flat token position to its bag id via the offsets boundaries
    bag_ids = jnp.searchsorted(offsets, jnp.arange(nt, dtype=offsets.dtype), side="right") - 1
    emb = jnp.take(table, text, axis=0)  # [T, D] gather
    sums = jax.ops.segment_sum(emb, bag_ids, num_segments=nb)  # [B, D] scatter-add
    counts = jax.ops.segment_sum(jnp.ones((nt,), dtype=emb.dtype), bag_ids, num_segments=nb)
    mean = sums / jnp.maximum(counts, 1.0)[:, None]
    return mean @ W.T + b

if __name__ == "__main__":
    import jax
    _d = setup_inputs()
    print(jax.jit(kernel)(*tuple(_d.values())))

</pallas_src>

<mosaic_0001>
#map = affine_map<(d0, d1) -> (0)>
#map1 = affine_map<(d0, d1) -> (0, 0)>
module attributes {stable_mosaic.version = 14 : i64} {
  func.func @sc_kernel(%arg0: i32, %arg1: i32, %arg2: memref<819200xi32, #tpu.memory_space<hbm>>, %arg3: memref<1000000x64xf32, #tpu.memory_space<hbm>>, %arg4: memref<16384x64xf32, #tpu.memory_space<hbm>>, %arg5: memref<32x64xf32, #tpu.memory_space<hbm>>, %arg6: memref<512xi32, #tpu.memory_space<vmem>>, %arg7: memref<25088xi32, #tpu.memory_space<vmem>>, %arg8: memref<4x128x64xf32, #tpu.memory_space<vmem>>, %arg9: memref<64xf32, #tpu.memory_space<vmem>>, %arg10: memref<!tpu.dma_semaphore, #tpu.memory_space<semaphore_mem>>, %arg11: memref<!tpu.dma_semaphore, #tpu.memory_space<semaphore_mem>>, %arg12: memref<!tpu.dma_semaphore, #tpu.memory_space<semaphore_mem>>, %arg13: memref<!tpu.dma_semaphore, #tpu.memory_space<semaphore_mem>>) attributes {dimension_semantics = [#tpu.dimension_semantics<core_parallel>, #tpu.dimension_semantics<subcore_parallel>], iteration_bounds = array<i64: 2, 16>, scalar_prefetch = 0 : i64, scratch_operands = 8 : i64, tpu.core_type = #tpu.core_type<sc_vector_subcore>, window_params = [{transform_indices = #map}, {transform_indices = #map1}, {transform_indices = #map1}, {transform_indices = #map1}]} {
    %mul3A = arith.constant 2 : i32
    %mul3A_0 = arith.muli %arg1, %mul3A : i32
    %add3A = arith.addi %mul3A_0, %arg0 : i32
    %mul3A_1 = arith.constant 25088 : i32
    %mul3A_2 = arith.muli %add3A, %mul3A_1 : i32
    %add3A_3 = arith.constant 16384 : i32
    %add3A_4 = arith.addi %add3A_3, %mul3A_2 : i32
    %mul3A_5 = arith.constant 512 : i32
    %mul3A_6 = arith.muli %add3A, %mul3A_5 : i32
    "tpu.region"() ({
      %run_scoped3A = tpu.sem_alloc : memref<!tpu.dma_semaphore, #tpu.memory_space<semaphore_mem>>
      %dma_start3A_73 = tpu.memref_slice %arg2[%mul3A_6] : memref<819200xi32, #tpu.memory_space<hbm>> -> memref<512xi32, #tpu.memory_space<hbm>>
      %dma_start3A_74 = tpu.memref_slice %arg2[%mul3A_6] : memref<819200xi32, #tpu.memory_space<hbm>> -> memref<512xi32, #tpu.memory_space<hbm>>
      tpu.enqueue_dma source(%dma_start3A_74 : memref<512xi32, #tpu.memory_space<hbm>>) target(%arg6 : memref<512xi32, #tpu.memory_space<vmem>>) target_semaphore(%run_scoped3A : memref<!tpu.dma_semaphore, #tpu.memory_space<semaphore_mem>>)
      %dma_wait3A = tpu.memref_slice %arg2[%mul3A_6] : memref<819200xi32, #tpu.memory_space<hbm>> -> memref<512xi32, #tpu.memory_space<hbm>>
      %dma_wait3A_75 = tpu.memref_slice %arg2[%mul3A_6] : memref<819200xi32, #tpu.memory_space<hbm>> -> memref<512xi32, #tpu.memory_space<hbm>>
      tpu.wait_dma2 semaphore(%run_scoped3A : memref<!tpu.dma_semaphore, #tpu.memory_space<semaphore_mem>>) src(%dma_wait3A_75 : memref<512xi32, #tpu.memory_space<hbm>>) dst(%arg6 : memref<512xi32, #tpu.memory_space<vmem>>)
      tpu.yield
    }) : () -> ()
    "tpu.region"() ({
      %run_scoped3A = tpu.sem_alloc : memref<!tpu.dma_semaphore, #tpu.memory_space<semaphore_mem>>
      %dma_start3A_73 = tpu.memref_slice %arg2[%add3A_4] : memref<819200xi32, #tpu.memory_space<hbm>> -> memref<25088xi32, #tpu.memory_space<hbm>>
      %dma_start3A_74 = tpu.memref_slice %arg2[%add3A_4] : memref<819200xi32, #tpu.memory_space<hbm>> -> memref<25088xi32, #tpu.memory_space<hbm>>
      tpu.enqueue_dma source(%dma_start3A_74 : memref<25088xi32, #tpu.memory_space<hbm>>) target(%arg7 : memref<25088xi32, #tpu.memory_space<vmem>>) target_semaphore(%run_scoped3A : memref<!tpu.dma_semaphore, #tpu.memory_space<semaphore_mem>>)
      %dma_wait3A = tpu.memref_slice %arg2[%add3A_4] : memref<819200xi32, #tpu.memory_space<hbm>> -> memref<25088xi32, #tpu.memory_space<hbm>>
      %dma_wait3A_75 = tpu.memref_slice %arg2[%add3A_4] : memref<819200xi32, #tpu.memory_space<hbm>> -> memref<25088xi32, #tpu.memory_space<hbm>>
      tpu.wait_dma2 semaphore(%run_scoped3A : memref<!tpu.dma_semaphore, #tpu.memory_space<semaphore_mem>>) src(%dma_wait3A_75 : memref<25088xi32, #tpu.memory_space<hbm>>) dst(%arg7 : memref<25088xi32, #tpu.memory_space<vmem>>)
      tpu.yield
    }) : () -> ()
    %scan3A = arith.constant 0 : i32
    %scan3A_7 = arith.constant 0 : i32
    %scan3A_8 = arith.constant 4 : i32
    %scan3A_9 = arith.addi %scan3A_7, %scan3A_8 : i32
    %scan3A_10 = arith.constant 1 : i32
    scf.for %scan3A_73 = %scan3A_7 to %scan3A_9 step %scan3A_10  : i32 {
      %mul3A_74 = arith.constant 128 : i32
      %mul3A_75 = arith.muli %scan3A_73, %mul3A_74 : i32
      %dma_start3A_76 = arith.constant 0 : i32
      %dma_start3A_77 = arith.constant 0 : i32
      %dma_start3A_78 = arith.constant 0 : i32
      %dma_start3A_79 = tpu.memref_slice %arg8[%dma_start3A_76, %dma_start3A_77, %dma_start3A_78] : memref<4x128x64xf32, #tpu.memory_space<vmem>> -> memref<1x128x64xf32, #tpu.memory_space<vmem>>
      %dma_start3A_80 = tpu.memref_squeeze %dma_start3A_79 : memref<1x128x64xf32, #tpu.memory_space<vmem>> -> memref<128x64xf32, #tpu.memory_space<vmem>>
      %dma_start3A_81 = tpu.memref_slice %arg6[%mul3A_75] : memref<512xi32, #tpu.memory_space<vmem>> -> memref<128xi32, #tpu.memory_space<vmem>>
      %dma_start3A_82 = arith.constant 0 : i32
      %dma_start3A_83 = arith.constant 0 : i32
      %dma_start3A_84 = tpu.memref_slice %arg3[%dma_start3A_82, %dma_start3A_83] : memref<1000000x64xf32, #tpu.memory_space<hbm>> -> memref<1000000x64xf32, #tpu.memory_space<hbm>>
      tpu.enqueue_indirect_dma source(%dma_start3A_84 : memref<1000000x64xf32, #tpu.memory_space<hbm>>) target(%dma_start3A_80 : memref<128x64xf32, #tpu.memory_space<vmem>>) offsets(%dma_start3A_81 : memref<128xi32, #tpu.memory_space<vmem>>) semaphore(%arg10 : memref<!tpu.dma_semaphore, #tpu.memory_space<semaphore_mem>>)
      %dma_wait3A = arith.constant 0 : i32
      %dma_wait3A_85 = arith.constant 0 : i32
      %dma_wait3A_86 = arith.constant 0 : i32
      %dma_wait3A_87 = tpu.memref_slice %arg8[%dma_wait3A, %dma_wait3A_85, %dma_wait3A_86] : memref<4x128x64xf32, #tpu.memory_space<vmem>> -> memref<1x128x64xf32, #tpu.memory_space<vmem>>
      %dma_wait3A_88 = tpu.memref_squeeze %dma_wait3A_87 : memref<1x128x64xf32, #tpu.memory_space<vmem>> -> memref<128x64xf32, #tpu.memory_space<vmem>>
      %dma_wait3A_89 = arith.constant 0 : i32
      %dma_wait3A_90 = arith.constant 0 : i32
      %dma_wait3A_91 = tpu.memref_slice %arg3[%dma_wait3A_89, %dma_wait3A_90] : memref<1000000x64xf32, #tpu.memory_space<hbm>> -> memref<128x64xf32, #tpu.memory_space<hbm>>
      %dma_wait3A_92 = arith.constant 0 : i32
      %dma_wait3A_93 = arith.constant 0 : i32
      %dma_wait3A_94 = tpu.memref_slice %arg8[%dma_wait3A, %dma_wait3A_92, %dma_wait3A_93] : memref<4x128x64xf32, #tpu.memory_space<vmem>> -> memref<1x128x64xf32, #tpu.memory_space<vmem>>
      %dma_wait3A_95 = tpu.memref_squeeze %dma_wait3A_94 : memref<1x128x64xf32, #tpu.memory_space<vmem>> -> memref<128x64xf32, #tpu.memory_space<vmem>>
      %dma_wait3A_96 = arith.constant 0 : i32
      %dma_wait3A_97 = arith.constant 0 : i32
      %dma_wait3A_98 = tpu.memref_slice %arg3[%dma_wait3A_96, %dma_wait3A_97] : memref<1000000x64xf32, #tpu.memory_space<hbm>> -> memref<128x64xf32, #tpu.memory_space<hbm>>
      tpu.wait_dma2 semaphore(%arg10 : memref<!tpu.dma_semaphore, #tpu.memory_space<semaphore_mem>>) src(%dma_wait3A_98 : memref<128x64xf32, #tpu.memory_space<hbm>>) dst(%dma_wait3A_95 : memref<128x64xf32, #tpu.memory_space<vmem>>)
      %mul3A_99 = arith.constant 512 : i32
      %mul3A_100 = arith.muli %add3A, %mul3A_99 : i32
      %mul3A_101 = arith.constant 128 : i32
      %mul3A_102 = arith.muli %scan3A_73, %mul3A_101 : i32
      %add3A_103 = arith.addi %mul3A_100, %mul3A_102 : i32
      %run_scoped3A = arith.constant 0 : i32
      "tpu.region"() ({
        %run_scoped3A_104 = tpu.sem_alloc : memref<!tpu.dma_semaphore, #tpu.memory_space<semaphore_mem>>
        %dma_start3A_105 = arith.constant 0 : i32
        %dma_start3A_106 = arith.constant 0 : i32
        %dma_start3A_107 = tpu.memref_slice %arg8[%run_scoped3A, %dma_start3A_105, %dma_start3A_106] : memref<4x128x64xf32, #tpu.memory_space<vmem>> -> memref<1x128x64xf32, #tpu.memory_space<vmem>>
        %dma_start3A_108 = tpu.memref_squeeze %dma_start3A_107 : memref<1x128x64xf32, #tpu.memory_space<vmem>> -> memref<128x64xf32, #tpu.memory_space<vmem>>
        %dma_start3A_109 = arith.constant 0 : i32
        %dma_start3A_110 = tpu.memref_slice %arg4[%add3A_103, %dma_start3A_109] : memref<16384x64xf32, #tpu.memory_space<hbm>> -> memref<128x64xf32, #tpu.memory_space<hbm>>
        %dma_start3A_111 = arith.constant 0 : i32
        %dma_start3A_112 = tpu.memref_slice %arg4[%add3A_103, %dma_start3A_111] : memref<16384x64xf32, #tpu.memory_space<hbm>> -> memref<128x64xf32, #tpu.memory_space<hbm>>
        %dma_start3A_113 = arith.constant 0 : i32
        %dma_start3A_114 = arith.constant 0 : i32
        %dma_start3A_115 = tpu.memref_slice %arg8[%run_scoped3A, %dma_start3A_113, %dma_start3A_114] : memref<4x128x64xf32, #tpu.memory_space<vmem>> -> memref<1x128x64xf32, #tpu.memory_space<vmem>>
        %dma_start3A_116 = tpu.memref_squeeze %dma_start3A_115 : memref<1x128x64xf32, #tpu.memory_space<vmem>> -> memref<128x64xf32, #tpu.memory_space<vmem>>
        tpu.enqueue_dma source(%dma_start3A_116 : memref<128x64xf32, #tpu.memory_space<vmem>>) target(%dma_start3A_112 : memref<128x64xf32, #tpu.memory_space<hbm>>) target_semaphore(%run_scoped3A_104 : memref<!tpu.dma_semaphore, #tpu.memory_space<semaphore_mem>>)
        %dma_wait3A_117 = arith.constant 0 : i32
        %dma_wait3A_118 = arith.constant 0 : i32
        %dma_wait3A_119 = tpu.memref_slice %arg8[%run_scoped3A, %dma_wait3A_117, %dma_wait3A_118] : memref<4x128x64xf32, #tpu.memory_space<vmem>> -> memref<1x128x64xf32, #tpu.memory_space<vmem>>
        %dma_wait3A_120 = tpu.memref_squeeze %dma_wait3A_119 : memref<1x128x64xf32, #tpu.memory_space<vmem>> -> memref<128x64xf32, #tpu.memory_space<vmem>>
        %dma_wait3A_121 = arith.constant 0 : i32
        %dma_wait3A_122 = tpu.memref_slice %arg4[%add3A_103, %dma_wait3A_121] : memref<16384x64xf32, #tpu.memory_space<hbm>> -> memref<128x64xf32, #tpu.memory_space<hbm>>
        %dma_wait3A_123 = arith.constant 0 : i32
        %dma_wait3A_124 = tpu.memref_slice %arg4[%add3A_103, %dma_wait3A_123] : memref<16384x64xf32, #tpu.memory_space<hbm>> -> memref<128x64xf32, #tpu.memory_space<hbm>>
        %dma_wait3A_125 = arith.constant 0 : i32
        %dma_wait3A_126 = arith.constant 0 : i32
        %dma_wait3A_127 = tpu.memref_slice %arg8[%run_scoped3A, %dma_wait3A_125, %dma_wait3A_126] : memref<4x128x64xf32, #tpu.memory_space<vmem>> -> memref<1x128x64xf32, #tpu.memory_space<vmem>>
        %dma_wait3A_128 = tpu.memref_squeeze %dma_wait3A_127 : memref<1x128x64xf32, #tpu.memory_space<vmem>> -> memref<128x64xf32, #tpu.memory_space<vmem>>
        tpu.wait_dma2 semaphore(%run_scoped3A_104 : memref<!tpu.dma_semaphore, #tpu.memory_space<semaphore_mem>>) src(%dma_wait3A_128 : memref<128x64xf32, #tpu.memory_space<vmem>>) dst(%dma_wait3A_124 : memref<128x64xf32, #tpu.memory_space<hbm>>)
        tpu.yield
      }) : () -> ()
    }
    %scan3A_11 = arith.constant 4 : i32
    %dma_start3A = arith.constant 0 : i32
    %dma_start3A_12 = arith.constant 0 : i32
    %dma_start3A_13 = arith.constant 0 : i32
    %dma_start3A_14 = tpu.memref_slice %arg8[%dma_start3A, %dma_start3A_12, %dma_start3A_13] : memref<4x128x64xf32, #tpu.memory_space<vmem>> -> memref<1x128x64xf32, #tpu.memory_space<vmem>>
    %dma_start3A_15 = tpu.memref_squeeze %dma_start3A_14 : memref<1x128x64xf32, #tpu.memory_space<vmem>> -> memref<128x64xf32, #tpu.memory_space<vmem>>
    %dma_start3A_16 = arith.constant 0 : i32
    %dma_start3A_17 = tpu.memref_slice %arg7[%dma_start3A_16] : memref<25088xi32, #tpu.memory_space<vmem>> -> memref<128xi32, #tpu.memory_space<vmem>>
    %dma_start3A_18 = arith.constant 0 : i32
    %dma_start3A_19 = arith.constant 0 : i32
    %dma_start3A_20 = tpu.memref_slice %arg3[%dma_start3A_18, %dma_start3A_19] : memref<1000000x64xf32, #tpu.memory_space<hbm>> -> memref<1000000x64xf32, #tpu.memory_space<hbm>>
    tpu.enqueue_indirect_dma source(%dma_start3A_20 : memref<1000000x64xf32, #tpu.memory_space<hbm>>) target(%dma_start3A_15 : memref<128x64xf32, #tpu.memory_space<vmem>>) offsets(%dma_start3A_17 : memref<128xi32, #tpu.memory_space<vmem>>) semaphore(%arg10 : memref<!tpu.dma_semaphore, #tpu.memory_space<semaphore_mem>>)
    %dma_start3A_21 = arith.constant 1 : i32
    %dma_start3A_22 = arith.constant 0 : i32
    %dma_start3A_23 = arith.constant 0 : i32
    %dma_start3A_24 = tpu.memref_slice %arg8[%dma_start3A_21, %dma_start3A_22, %dma_start3A_23] : memref<4x128x64xf32, #tpu.memory_space<vmem>> -> memref<1x128x64xf32, #tpu.memory_space<vmem>>
    %dma_start3A_25 = tpu.memref_squeeze %dma_start3A_24 : memref<1x128x64xf32, #tpu.memory_space<vmem>> -> memref<128x64xf32, #tpu.memory_space<vmem>>
    %dma_start3A_26 = arith.constant 128 : i32
    %dma_start3A_27 = tpu.memref_slice %arg7[%dma_start3A_26] : memref<25088xi32, #tpu.memory_space<vmem>> -> memref<128xi32, #tpu.memory_space<vmem>>
    %dma_start3A_28 = arith.constant 0 : i32
    %dma_start3A_29 = arith.constant 0 : i32
    %dma_start3A_30 = tpu.memref_slice %arg3[%dma_start3A_28, %dma_start3A_29] : memref<1000000x64xf32, #tpu.memory_space<hbm>> -> memref<1000000x64xf32, #tpu.memory_space<hbm>>
    tpu.enqueue_indirect_dma source(%dma_start3A_30 : memref<1000000x64xf32, #tpu.memory_space<hbm>>) target(%dma_start3A_25 : memref<128x64xf32, #tpu.memory_space<vmem>>) offsets(%dma_start3A_27 : memref<128xi32, #tpu.memory_space<vmem>>) semaphore(%arg11 : memref<!tpu.dma_semaphore, #tpu.memory_space<semaphore_mem>>)
    %dma_start3A_31 = arith.constant 2 : i32
    %dma_start3A_32 = arith.constant 0 : i32
    %dma_start3A_33 = arith.constant 0 : i32
    %dma_start3A_34 = tpu.memref_slice %arg8[%dma_start3A_31, %dma_start3A_32, %dma_start3A_33] : memref<4x128x64xf32, #tpu.memory_space<vmem>> -> memref<1x128x64xf32, #tpu.memory_space<vmem>>
    %dma_start3A_35 = tpu.memref_squeeze %dma_start3A_34 : memref<1x128x64xf32, #tpu.memory_space<vmem>> -> memref<128x64xf32, #tpu.memory_space<vmem>>
    %dma_start3A_36 = arith.constant 256 : i32
    %dma_start3A_37 = tpu.memref_slice %arg7[%dma_start3A_36] : memref<25088xi32, #tpu.memory_space<vmem>> -> memref<128xi32, #tpu.memory_space<vmem>>
    %dma_start3A_38 = arith.constant 0 : i32
    %dma_start3A_39 = arith.constant 0 : i32
    %dma_start3A_40 = tpu.memref_slice %arg3[%dma_start3A_38, %dma_start3A_39] : memref<1000000x64xf32, #tpu.memory_space<hbm>> -> memref<1000000x64xf32, #tpu.memory_space<hbm>>
    tpu.enqueue_indirect_dma source(%dma_start3A_40 : memref<1000000x64xf32, #tpu.memory_space<hbm>>) target(%dma_start3A_35 : memref<128x64xf32, #tpu.memory_space<vmem>>) offsets(%dma_start3A_37 : memref<128xi32, #tpu.memory_space<vmem>>) semaphore(%arg12 : memref<!tpu.dma_semaphore, #tpu.memory_space<semaphore_mem>>)
    %dma_start3A_41 = arith.constant 3 : i32
    %dma_start3A_42 = arith.constant 0 : i32
    %dma_start3A_43 = arith.constant 0 : i32
    %dma_start3A_44 = tpu.memref_slice %arg8[%dma_start3A_41, %dma_start3A_42, %dma_start3A_43] : memref<4x128x64xf32, #tpu.memory_space<vmem>> -> memref<1x128x64xf32, #tpu.memory_space<vmem>>
    %dma_start3A_45 = tpu.memref_squeeze %dma_start3A_44 : memref<1x128x64xf32, #tpu.memory_space<vmem>> -> memref<128x64xf32, #tpu.memory_space<vmem>>
    %dma_start3A_46 = arith.constant 384 : i32
    %dma_start3A_47 = tpu.memref_slice %arg7[%dma_start3A_46] : memref<25088xi32, #tpu.memory_space<vmem>> -> memref<128xi32, #tpu.memory_space<vmem>>
    %dma_start3A_48 = arith.constant 0 : i32
    %dma_start3A_49 = arith.constant 0 : i32
    %dma_start3A_50 = tpu.memref_slice %arg3[%dma_start3A_48, %dma_start3A_49] : memref<1000000x64xf32, #tpu.memory_space<hbm>> -> memref<1000000x64xf32, #tpu.memory_space<hbm>>
    tpu.enqueue_indirect_dma source(%dma_start3A_50 : memref<1000000x64xf32, #tpu.memory_space<hbm>>) target(%dma_start3A_45 : memref<128x64xf32, #tpu.memory_space<vmem>>) offsets(%dma_start3A_47 : memref<128xi32, #tpu.memory_space<vmem>>) semaphore(%arg13 : memref<!tpu.dma_semaphore, #tpu.memory_space<semaphore_mem>>)
    %broadcast_in_dim3A = arith.constant 0.000000e+00 : f32
    %broadcast_in_dim3A_51 = vector.broadcast %broadcast_in_dim3A : f32 to vector<16xf32>
    %scan3A_52 = arith.constant 0 : i32
    %scan3A_53 = arith.constant 49 : i32
    %scan3A_54 = arith.addi %scan3A_52, %scan3A_53 : i32
    %scan3A_55 = arith.constant 1 : i32
    %scan3A_56:4 = scf.for %scan3A_73 = %scan3A_52 to %scan3A_54 step %scan3A_55 iter_args(%scan3A_74 = %broadcast_in_dim3A_51, %scan3A_75 = %broadcast_in_dim3A_51, %scan3A_76 = %broadcast_in_dim3A_51, %scan3A_77 = %broadcast_in_dim3A_51) -> (vector<16xf32>, vector<16xf32>, vector<16xf32>, vector<16xf32>)  : i32 {
      %mul3A_78 = arith.constant 4 : i32
      %mul3A_79 = arith.muli %scan3A_73, %mul3A_78 : i32
      %add3A_80 = arith.constant 0 : i32
      %add3A_81 = arith.addi %mul3A_79, %add3A_80 : i32
      %dma_wait3A = arith.constant 0 : i32
      %dma_wait3A_82 = arith.constant 0 : i32
      %dma_wait3A_83 = arith.constant 0 : i32
      %dma_wait3A_84 = tpu.memref_slice %arg8[%dma_wait3A, %dma_wait3A_82, %dma_wait3A_83] : memref<4x128x64xf32, #tpu.memory_space<vmem>> -> memref<1x128x64xf32, #tpu.memory_space<vmem>>
      %dma_wait3A_85 = tpu.memref_squeeze %dma_wait3A_84 : memref<1x128x64xf32, #tpu.memory_space<vmem>> -> memref<128x64xf32, #tpu.memory_space<vmem>>
      %dma_wait3A_86 = arith.constant 0 : i32
      %dma_wait3A_87 = arith.constant 0 : i32
      %dma_wait3A_88 = tpu.memref_slice %arg3[%dma_wait3A_86, %dma_wait3A_87] : memref<1000000x64xf32, #tpu.memory_space<hbm>> -> memref<128x64xf32, #tpu.memory_space<hbm>>
      %dma_wait3A_89 = arith.constant 0 : i32
      %dma_wait3A_90 = arith.constant 0 : i32
      %dma_wait3A_91 = tpu.memref_slice %arg8[%dma_wait3A, %dma_wait3A_89, %dma_wait3A_90] : memref<4x128x64xf32, #tpu.memory_space<vmem>> -> memref<1x128x64xf32, #tpu.memory_space<vmem>>
      %dma_wait3A_92 = tpu.memref_squeeze %dma_wait3A_91 : memref<1x128x64xf32, #tpu.memory_space<vmem>> -> memref<128x64xf32, #tpu.memory_space<vmem>>
      %dma_wait3A_93 = arith.constant 0 : i32
      %dma_wait3A_94 = arith.constant 0 : i32
      %dma_wait3A_95 = tpu.memref_slice %arg3[%dma_wait3A_93, %dma_wait3A_94] : memref<1000000x64xf32, #tpu.memory_space<hbm>> -> memref<128x64xf32, #tpu.memory_space<hbm>>
      tpu.wait_dma2 semaphore(%arg10 : memref<!tpu.dma_semaphore, #tpu.memory_space<semaphore_mem>>) src(%dma_wait3A_95 : memref<128x64xf32, #tpu.memory_space<hbm>>) dst(%dma_wait3A_92 : memref<128x64xf32, #tpu.memory_space<vmem>>)
      %scan3A_96 = arith.constant 0 : i32
      %scan3A_97 = arith.constant 32 : i32
      %scan3A_98 = arith.addi %scan3A_96, %scan3A_97 : i32
      %scan3A_99 = arith.constant 1 : i32
      %scan3A_100:4 = scf.for %scan3A_202 = %scan3A_96 to %scan3A_98 step %scan3A_99 iter_args(%scan3A_203 = %scan3A_74, %scan3A_204 = %scan3A_75, %scan3A_205 = %scan3A_76, %scan3A_206 = %scan3A_77) -> (vector<16xf32>, vector<16xf32>, vector<16xf32>, vector<16xf32>)  : i32 {
        %mul3A_207 = arith.constant 4 : i32
        %mul3A_208 = arith.muli %scan3A_202, %mul3A_207 : i32
        %add3A_209 = arith.constant 0 : i32
        %add3A_210 = arith.addi %mul3A_208, %add3A_209 : i32
        %get3A = arith.constant 0 : i32
        %get3A_211 = arith.index_cast %get3A : i32 to index
        %get3A_212 = arith.index_cast %add3A_210 : i32 to index
        %get3A_213 = arith.constant 0 : index
        %get3A_214 = tpu.vector_load %arg8[%get3A_211, %get3A_212, %get3A_213] {strides = array<i32>} : memref<4x128x64xf32, #tpu.memory_space<vmem>>, vector<1x1x16xf32>,
        %get3A_215 = vector.shape_cast %get3A_214 : vector<1x1x16xf32> to vector<16xf32>
        %add3A_216 = arith.addf %scan3A_203, %get3A_215 : vector<16xf32>
        %get3A_217 = arith.constant 0 : i32
        %get3A_218 = arith.index_cast %get3A_217 : i32 to index
        %get3A_219 = arith.index_cast %add3A_210 : i32 to index
        %get3A_220 = arith.constant 16 : index
        %get3A_221 = tpu.vector_load %arg8[%get3A_218, %get3A_219, %get3A_220] {strides = array<i32>} : memref<4x128x64xf32, #tpu.memory_space<vmem>>, vector<1x1x16xf32>,
        %get3A_222 = vector.shape_cast %get3A_221 : vector<1x1x16xf32> to vector<16xf32>
        %add3A_223 = arith.addf %scan3A_204, %get3A_222 : vector<16xf32>
        %get3A_224 = arith.constant 0 : i32
        %get3A_225 = arith.index_cast %get3A_224 : i32 to index
        %get3A_226 = arith.index_cast %add3A_210 : i32 to index
        %get3A_227 = arith.constant 32 : index
        %get3A_228 = tpu.vector_load %arg8[%get3A_225, %get3A_226, %get3A_227] {strides = array<i32>} : memref<4x128x64xf32, #tpu.memory_space<vmem>>, vector<1x1x16xf32>,
        %get3A_229 = vector.shape_cast %get3A_228 : vector<1x1x16xf32> to vector<16xf32>
        %add3A_230 = arith.addf %scan3A_205, %get3A_229 : vector<16xf32>
        %get3A_231 = arith.constant 0 : i32
        %get3A_232 = arith.index_cast %get3A_231 : i32 to index
        %get3A_233 = arith.index_cast %add3A_210 : i32 to index
        %get3A_234 = arith.constant 48 : index
        %get3A_235 = tpu.vector_load %arg8[%get3A_232, %get3A_233, %get3A_234] {strides = array<i32>} : memref<4x128x64xf32, #tpu.memory_space<vmem>>, vector<1x1x16xf32>,
        %get3A_236 = vector.shape_cast %get3A_235 : vector<1x1x16xf32> to vector<16xf32>
        %add3A_237 = arith.addf %scan3A_206, %get3A_236 : vector<16xf32>
        %mul3A_238 = arith.constant 4 : i32
        %mul3A_239 = arith.muli %scan3A_202, %mul3A_238 : i32
        %add3A_240 = arith.constant 1 : i32
        %add3A_241 = arith.addi %mul3A_239, %add3A_240 : i32
        %get3A_242 = arith.constant 0 : i32
        %get3A_243 = arith.index_cast %get3A_242 : i32 to index
        %get3A_244 = arith.index_cast %add3A_241 : i32 to index
        %get3A_245 = arith.constant 0 : index
        %get3A_246 = tpu.vector_load %arg8[%get3A_243, %get3A_244, %get3A_245] {strides = array<i32>} : memref<4x128x64xf32, #tpu.memory_space<vmem>>, vector<1x1x16xf32>,
        %get3A_247 = vector.shape_cast %get3A_246 : vector<1x1x16xf32> to vector<16xf32>
        %add3A_248 = arith.addf %add3A_216, %get3A_247 : vector<16xf32>
        %get3A_249 = arith.constant 0 : i32
        %get3A_250 = arith.index_cast %get3A_249 : i32 to index
        %get3A_251 = arith.index_cast %add3A_241 : i32 to index
        %get3A_252 = arith.constant 16 : index
        %get3A_253 = tpu.vector_load %arg8[%get3A_250, %get3A_251, %get3A_252] {strides = array<i32>} : memref<4x128x64xf32, #tpu.memory_space<vmem>>, vector<1x1x16xf32>,
        %get3A_254 = vector.shape_cast %get3A_253 : vector<1x1x16xf32> to vector<16xf32>
        %add3A_255 = arith.addf %add3A_223, %get3A_254 : vector<16xf32>
        %get3A_256 = arith.constant 0 : i32
        %get3A_257 = arith.index_cast %get3A_256 : i32 to index
        %get3A_258 = arith.index_cast %add3A_241 : i32 to index
        %get3A_259 = arith.constant 32 : index
        %get3A_260 = tpu.vector_load %arg8[%get3A_257, %get3A_258, %get3A_259] {strides = array<i32>} : memref<4x128x64xf32, #tpu.memory_space<vmem>>, vector<1x1x16xf32>,
        %get3A_261 = vector.shape_cast %get3A_260 : vector<1x1x16xf32> to vector<16xf32>
        %add3A_262 = arith.addf %add3A_230, %get3A_261 : vector<16xf32>
        %get3A_263 = arith.constant 0 : i32
        %get3A_264 = arith.index_cast %get3A_263 : i32 to index
        %get3A_265 = arith.index_cast %add3A_241 : i32 to index
        %get3A_266 = arith.constant 48 : index
        %get3A_267 = tpu.vector_load %arg8[%get3A_264, %get3A_265, %get3A_266] {strides = array<i32>} : memref<4x128x64xf32, #tpu.memory_space<vmem>>, vector<1x1x16xf32>,
        %get3A_268 = vector.shape_cast %get3A_267 : vector<1x1x16xf32> to vector<16xf32>
        %add3A_269 = arith.addf %add3A_237, %get3A_268 : vector<16xf32>
        %mul3A_270 = arith.constant 4 : i32
        %mul3A_271 = arith.muli %scan3A_202, %mul3A_270 : i32
        %add3A_272 = arith.constant 2 : i32
        %add3A_273 = arith.addi %mul3A_271, %add3A_272 : i32
        %get3A_274 = arith.constant 0 : i32
        %get3A_275 = arith.index_cast %get3A_274 : i32 to index
        %get3A_276 = arith.index_cast %add3A_273 : i32 to index
        %get3A_277 = arith.constant 0 : index
        %get3A_278 = tpu.vector_load %arg8[%get3A_275, %get3A_276, %get3A_277] {strides = array<i32>} : memref<4x128x64xf32, #tpu.memory_space<vmem>>, vector<1x1x16xf32>,
        %get3A_279 = vector.shape_cast %get3A_278 : vector<1x1x16xf32> to vector<16xf32>
        %add3A_280 = arith.addf %add3A_248, %get3A_279 : vector<16xf32>
        %get3A_281 = arith.constant 0 : i32
        %get3A_282 = arith.index_cast %get3A_281 : i32 to index
        %get3A_283 = arith.index_cast %add3A_273 : i32 to index
        %get3A_284 = arith.constant 16 : index
        %get3A_285 = tpu.vector_load %arg8[%get3A_282, %get3A_283, %get3A_284] {strides = array<i32>} : memref<4x128x64xf32, #tpu.memory_space<vmem>>, vector<1x1x16xf32>,
        %get3A_286 = vector.shape_cast %get3A_285 : vector<1x1x16xf32> to vector<16xf32>
        %add3A_287 = arith.addf %add3A_255, %get3A_286 : vector<16xf32>
        %get3A_288 = arith.constant 0 : i32
        %get3A_289 = arith.index_cast %get3A_288 : i32 to index
        %get3A_290 = arith.index_cast %add3A_273 : i32 to index
        %get3A_291 = arith.constant 32 : index
        %get3A_292 = tpu.vector_load %arg8[%get3A_289, %get3A_290, %get3A_291] {strides = array<i32>} : memref<4x128x64xf32, #tpu.memory_space<vmem>>, vector<1x1x16xf32>,
        %get3A_293 = vector.shape_cast %get3A_292 : vector<1x1x16xf32> to vector<16xf32>
        %add3A_294 = arith.addf %add3A_262, %get3A_293 : vector<16xf32>
        %get3A_295 = arith.constant 0 : i32
        %get3A_296 = arith.index_cast %get3A_295 : i32 to index
        %get3A_297 = arith.index_cast %add3A_273 : i32 to index
        %get3A_298 = arith.constant 48 : index
        %get3A_299 = tpu.vector_load %arg8[%get3A_296, %get3A_297, %get3A_298] {strides = array<i32>} : memref<4x128x64xf32, #tpu.memory_space<vmem>>, vector<1x1x16xf32>,
        %get3A_300 = vector.shape_cast %get3A_299 : vector<1x1x16xf32> to vector<16xf32>
        %add3A_301 = arith.addf %add3A_269, %get3A_300 : vector<16xf32>
        %mul3A_302 = arith.constant 4 : i32
        %mul3A_303 = arith.muli %scan3A_202, %mul3A_302 : i32
        %add3A_304 = arith.constant 3 : i32
        %add3A_305 = arith.addi %mul3A_303, %add3A_304 : i32
        %get3A_306 = arith.constant 0 : i32
        %get3A_307 = arith.index_cast %get3A_306 : i32 to index
        %get3A_308 = arith.index_cast %add3A_305 : i32 to index
        %get3A_309 = arith.constant 0 : index
        %get3A_310 = tpu.vector_load %arg8[%get3A_307, %get3A_308, %get3A_309] {strides = array<i32>} : memref<4x128x64xf32, #tpu.memory_space<vmem>>, vector<1x1x16xf32>,
        %get3A_311 = vector.shape_cast %get3A_310 : vector<1x1x16xf32> to vector<16xf32>
        %add3A_312 = arith.addf %add3A_280, %get3A_311 : vector<16xf32>
        %get3A_313 = arith.constant 0 : i32
        %get3A_314 = arith.index_cast %get3A_313 : i32 to index
        %get3A_315 = arith.index_cast %add3A_305 : i32 to index
        %get3A_316 = arith.constant 16 : index
        %get3A_317 = tpu.vector_load %arg8[%get3A_314, %get3A_315, %get3A_316] {strides = array<i32>} : memref<4x128x64xf32, #tpu.memory_space<vmem>>, vector<1x1x16xf32>,
        %get3A_318 = vector.shape_cast %get3A_317 : vector<1x1x16xf32> to vector<16xf32>
        %add3A_319 = arith.addf %add3A_287, %get3A_318 : vector<16xf32>
        %get3A_320 = arith.constant 0 : i32
        %get3A_321 = arith.index_cast %get3A_320 : i32 to index
        %get3A_322 = arith.index_cast %add3A_305 : i32 to index
        %get3A_323 = arith.constant 32 : index
        %get3A_324 = tpu.vector_load %arg8[%get3A_321, %get3A_322, %get3A_323] {strides = array<i32>} : memref<4x128x64xf32, #tpu.memory_space<vmem>>, vector<1x1x16xf32>,
        %get3A_325 = vector.shape_cast %get3A_324 : vector<1x1x16xf32> to vector<16xf32>
        %add3A_326 = arith.addf %add3A_294, %get3A_325 : vector<16xf32>
        %get3A_327 = arith.constant 0 : i32
        %get3A_328 = arith.index_cast %get3A_327 : i32 to index
        %get3A_329 = arith.index_cast %add3A_305 : i32 to index
        %get3A_330 = arith.constant 48 : index
        %get3A_331 = tpu.vector_load %arg8[%get3A_328, %get3A_329, %get3A_330] {strides = array<i32>} : memref<4x128x64xf32, #tpu.memory_space<vmem>>, vector<1x1x16xf32>,
        %get3A_332 = vector.shape_cast %get3A_331 : vector<1x1x16xf32> to vector<16xf32>
        %add3A_333 = arith.addf %add3A_301, %get3A_332 : vector<16xf32>
        scf.yield %add3A_312, %add3A_319, %add3A_326, %add3A_333 : vector<16xf32>, vector<16xf32>, vector<16xf32>, vector<16xf32>
      }
      %scan3A_101 = arith.constant 32 : i32
      %add3A_102 = arith.constant 4 : i32
      %add3A_103 = arith.addi %add3A_81, %add3A_102 : i32
      %lt3A = arith.constant 196 : i32
      %lt3A_104 = arith.cmpi slt, %add3A_103, %lt3A : i32
      %convert_element_type3A = arith.extui %lt3A_104 : i1 to i32
      %cond3A = arith.constant 0 : i32
      %cond3A_105 = arith.cmpi ne, %convert_element_type3A, %cond3A : i32
      scf.if %cond3A_105 {
        %add3A_202 = arith.constant 4 : i32
        %add3A_203 = arith.addi %add3A_81, %add3A_202 : i32
        %mul3A_204 = arith.constant 128 : i32
        %mul3A_205 = arith.muli %add3A_203, %mul3A_204 : i32
        %dma_start3A_206 = arith.constant 0 : i32
        %dma_start3A_207 = arith.constant 0 : i32
        %dma_start3A_208 = arith.constant 0 : i32
        %dma_start3A_209 = tpu.memref_slice %arg8[%dma_start3A_206, %dma_start3A_207, %dma_start3A_208] : memref<4x128x64xf32, #tpu.memory_space<vmem>> -> memref<1x128x64xf32, #tpu.memory_space<vmem>>
        %dma_start3A_210 = tpu.memref_squeeze %dma_start3A_209 : memref<1x128x64xf32, #tpu.memory_space<vmem>> -> memref<128x64xf32, #tpu.memory_space<vmem>>
        %dma_start3A_211 = tpu.memref_slice %arg7[%mul3A_205] : memref<25088xi32, #tpu.memory_space<vmem>> -> memref<128xi32, #tpu.memory_space<vmem>>
        %dma_start3A_212 = arith.constant 0 : i32
        %dma_start3A_213 = arith.constant 0 : i32
        %dma_start3A_214 = tpu.memref_slice %arg3[%dma_start3A_212, %dma_start3A_213] : memref<1000000x64xf32, #tpu.memory_space<hbm>> -> memref<1000000x64xf32, #tpu.memory_space<hbm>>
        tpu.enqueue_indirect_dma source(%dma_start3A_214 : memref<1000000x64xf32, #tpu.memory_space<hbm>>) target(%dma_start3A_210 : memref<128x64xf32, #tpu.memory_space<vmem>>) offsets(%dma_start3A_211 : memref<128xi32, #tpu.memory_space<vmem>>) semaphore(%arg10 : memref<!tpu.dma_semaphore, #tpu.memory_space<semaphore_mem>>)
      } else {
      }
      %mul3A_106 = arith.constant 4 : i32
      %mul3A_107 = arith.muli %scan3A_73, %mul3A_106 : i32
      %add3A_108 = arith.constant 1 : i32
      %add3A_109 = arith.addi %mul3A_107, %add3A_108 : i32
      %dma_wait3A_110 = arith.constant 1 : i32
      %dma_wait3A_111 = arith.constant 0 : i32
      %dma_wait3A_112 = arith.constant 0 : i32
      %dma_wait3A_113 = tpu.memref_slice %arg8[%dma_wait3A_110, %dma_wait3A_111, %dma_wait3A_112] : memref<4x128x64xf32, #tpu.memory_space<vmem>> -> memref<1x128x64xf32, #tpu.memory_space<vmem>>
      %dma_wait3A_114 = tpu.memref_squeeze %dma_wait3A_113 : memref<1x128x64xf32, #tpu.memory_space<vmem>> -> memref<128x64xf32, #tpu.memory_space<vmem>>
      %dma_wait3A_115 = arith.constant 0 : i32
      %dma_wait3A_116 = arith.constant 0 : i32
      %dma_wait3A_117 = tpu.memref_slice %arg3[%dma_wait3A_115, %dma_wait3A_116] : memref<1000000x64xf32, #tpu.memory_space<hbm>> -> memref<128x64xf32, #tpu.memory_space<hbm>>
      %dma_wait3A_118 = arith.constant 0 : i32
      %dma_wait3A_119 = arith.constant 0 : i32
      %dma_wait3A_120 = tpu.memref_slice %arg8[%dma_wait3A_110, %dma_wait3A_118, %dma_wait3A_119] : memref<4x128x64xf32, #tpu.memory_space<vmem>> -> memref<1x128x64xf32, #tpu.memory_space<vmem>>
      %dma_wait3A_121 = tpu.memref_squeeze %dma_wait3A_120 : memref<1x128x64xf32, #tpu.memory_space<vmem>> -> memref<128x64xf32, #tpu.memory_space<vmem>>
      %dma_wait3A_122 = arith.constant 0 : i32
      %dma_wait3A_123 = arith.constant 0 : i32
      %dma_wait3A_124 = tpu.memref_slice %arg3[%dma_wait3A_122, %dma_wait3A_123] : memref<1000000x64xf32, #tpu.memory_space<hbm>> -> memref<128x64xf32, #tpu.memory_space<hbm>>
      tpu.wait_dma2 semaphore(%arg11 : memref<!tpu.dma_semaphore, #tpu.memory_space<semaphore_mem>>) src(%dma_wait3A_124 : memref<128x64xf32, #tpu.memory_space<hbm>>) dst(%dma_wait3A_121 : memref<128x64xf32, #tpu.memory_space<vmem>>)
      %scan3A_125 = arith.constant 0 : i32
      %scan3A_126 = arith.constant 32 : i32
      %scan3A_127 = arith.addi %scan3A_125, %scan3A_126 : i32
      %scan3A_128 = arith.constant 1 : i32
      %scan3A_129:4 = scf.for %scan3A_202 = %scan3A_125 to %scan3A_127 step %scan3A_128 iter_args(%scan3A_203 = %scan3A_100#0, %scan3A_204 = %scan3A_100#1, %scan3A_205 = %scan3A_100#2, %scan3A_206 = %scan3A_100#3) -> (vector<16xf32>, vector<16xf32>, vector<16xf32>, vector<16xf32>)  : i32 {
        %mul3A_207 = arith.constant 4 : i32
        %mul3A_208 = arith.muli %scan3A_202, %mul3A_207 : i32
        %add3A_209 = arith.constant 0 : i32
        %add3A_210 = arith.addi %mul3A_208, %add3A_209 : i32
        %get3A = arith.constant 1 : i32
        %get3A_211 = arith.index_cast %get3A : i32 to index
        %get3A_212 = arith.index_cast %add3A_210 : i32 to index
        %get3A_213 = arith.constant 0 : index
        %get3A_214 = tpu.vector_load %arg8[%get3A_211, %get3A_212, %get3A_213] {strides = array<i32>} : memref<4x128x64xf32, #tpu.memory_space<vmem>>, vector<1x1x16xf32>,
        %get3A_215 = vector.shape_cast %get3A_214 : vector<1x1x16xf32> to vector<16xf32>
        %add3A_216 = arith.addf %scan3A_203, %get3A_215 : vector<16xf32>
        %get3A_217 = arith.constant 1 : i32
        %get3A_218 = arith.index_cast %get3A_217 : i32 to index
        %get3A_219 = arith.index_cast %add3A_210 : i32 to index
        %get3A_220 = arith.constant 16 : index
        %get3A_221 = tpu.vector_load %arg8[%get3A_218, %get3A_219, %get3A_220] {strides = array<i32>} : memref<4x128x64xf32, #tpu.memory_space<vmem>>, vector<1x1x16xf32>,
        %get3A_222 = vector.shape_cast %get3A_221 : vector<1x1x16xf32> to vector<16xf32>
        %add3A_223 = arith.addf %scan3A_204, %get3A_222 : vector<16xf32>
        %get3A_224 = arith.constant 1 : i32
        %get3A_225 = arith.index_cast %get3A_224 : i32 to index
        %get3A_226 = arith.index_cast %add3A_210 : i32 to index
        %get3A_227 = arith.constant 32 : index
        %get3A_228 = tpu.vector_load %arg8[%get3A_225, %get3A_226, %get3A_227] {strides = array<i32>} : memref<4x128x64xf32, #tpu.memory_space<vmem>>, vector<1x1x16xf32>,
        %get3A_229 = vector.shape_cast %get3A_228 : vector<1x1x16xf32> to vector<16xf32>
        %add3A_230 = arith.addf %scan3A_205, %get3A_229 : vector<16xf32>
        %get3A_231 = arith.constant 1 : i32
        %get3A_232 = arith.index_cast %get3A_231 : i32 to index
        %get3A_233 = arith.index_cast %add3A_210 : i32 to index
        %get3A_234 = arith.constant 48 : index
        %get3A_235 = tpu.vector_load %arg8[%get3A_232, %get3A_233, %get3A_234] {strides = array<i32>} : memref<4x128x64xf32, #tpu.memory_space<vmem>>, vector<1x1x16xf32>,
        %get3A_236 = vector.shape_cast %get3A_235 : vector<1x1x16xf32> to vector<16xf32>
        %add3A_237 = arith.addf %scan3A_206, %get3A_236 : vector<16xf32>
        %mul3A_238 = arith.constant 4 : i32
        %mul3A_239 = arith.muli %scan3A_202, %mul3A_238 : i32
        %add3A_240 = arith.constant 1 : i32
        %add3A_241 = arith.addi %mul3A_239, %add3A_240 : i32
        %get3A_242 = arith.constant 1 : i32
        %get3A_243 = arith.index_cast %get3A_242 : i32 to index
        %get3A_244 = arith.index_cast %add3A_241 : i32 to index
        %get3A_245 = arith.constant 0 : index
        %get3A_246 = tpu.vector_load %arg8[%get3A_243, %get3A_244, %get3A_245] {strides = array<i32>} : memref<4x128x64xf32, #tpu.memory_space<vmem>>, vector<1x1x16xf32>,
        %get3A_247 = vector.shape_cast %get3A_246 : vector<1x1x16xf32> to vector<16xf32>
        %add3A_248 = arith.addf %add3A_216, %get3A_247 : vector<16xf32>
        %get3A_249 = arith.constant 1 : i32
        %get3A_250 = arith.index_cast %get3A_249 : i32 to index
        %get3A_251 = arith.index_cast %add3A_241 : i32 to index
        %get3A_252 = arith.constant 16 : index
        %get3A_253 = tpu.vector_load %arg8[%get3A_250, %get3A_251, %get3A_252] {strides = array<i32>} : memref<4x128x64xf32, #tpu.memory_space<vmem>>, vector<1x1x16xf32>,
        %get3A_254 = vector.shape_cast %get3A_253 : vector<1x1x16xf32> to vector<16xf32>
        %add3A_255 = arith.addf %add3A_223, %get3A_254 : vector<16xf32>
        %get3A_256 = arith.constant 1 : i32
        %get3A_257 = arith.index_cast %get3A_256 : i32 to index
        %get3A_258 = arith.index_cast %add3A_241 : i32 to index
        %get3A_259 = arith.constant 32 : index
        %get3A_260 = tpu.vector_load %arg8[%get3A_257, %get3A_258, %get3A_259] {strides = array<i32>} : memref<4x128x64xf32, #tpu.memory_space<vmem>>, vector<1x1x16xf32>,
        %get3A_261 = vector.shape_cast %get3A_260 : vector<1x1x16xf32> to vector<16xf32>
        %add3A_262 = arith.addf %add3A_230, %get3A_261 : vector<16xf32>
        %get3A_263 = arith.constant 1 : i32
        %get3A_264 = arith.index_cast %get3A_263 : i32 to index
        %get3A_265 = arith.index_cast %add3A_241 : i32 to index
        %get3A_266 = arith.constant 48 : index
        %get3A_267 = tpu.vector_load %arg8[%get3A_264, %get3A_265, %get3A_266] {strides = array<i32>} : memref<4x128x64xf32, #tpu.memory_space<vmem>>, vector<1x1x16xf32>,
        %get3A_268 = vector.shape_cast %get3A_267 : vector<1x1x16xf32> to vector<16xf32>
        %add3A_269 = arith.addf %add3A_237, %get3A_268 : vector<16xf32>
        %mul3A_270 = arith.constant 4 : i32
        %mul3A_271 = arith.muli %scan3A_202, %mul3A_270 : i32
        %add3A_272 = arith.constant 2 : i32
        %add3A_273 = arith.addi %mul3A_271, %add3A_272 : i32
        %get3A_274 = arith.constant 1 : i32
        %get3A_275 = arith.index_cast %get3A_274 : i32 to index
        %get3A_276 = arith.index_cast %add3A_273 : i32 to index
        %get3A_277 = arith.constant 0 : index
        %get3A_278 = tpu.vector_load %arg8[%get3A_275, %get3A_276, %get3A_277] {strides = array<i32>} : memref<4x128x64xf32, #tpu.memory_space<vmem>>, vector<1x1x16xf32>,
        %get3A_279 = vector.shape_cast %get3A_278 : vector<1x1x16xf32> to vector<16xf32>
        %add3A_280 = arith.addf %add3A_248, %get3A_279 : vector<16xf32>
        %get3A_281 = arith.constant 1 : i32
        %get3A_282 = arith.index_cast %get3A_281 : i32 to index
        %get3A_283 = arith.index_cast %add3A_273 : i32 to index
        %get3A_284 = arith.constant 16 : index
        %get3A_285 = tpu.vector_load %arg8[%get3A_282, %get3A_283, %get3A_284] {strides = array<i32>} : memref<4x128x64xf32, #tpu.memory_space<vmem>>, vector<1x1x16xf32>,
        %get3A_286 = vector.shape_cast %get3A_285 : vector<1x1x16xf32> to vector<16xf32>
        %add3A_287 = arith.addf %add3A_255, %get3A_286 : vector<16xf32>
        %get3A_288 = arith.constant 1 : i32
        %get3A_289 = arith.index_cast %get3A_288 : i32 to index
        %get3A_290 = arith.index_cast %add3A_273 : i32 to index
        %get3A_291 = arith.constant 32 : index
        %get3A_292 = tpu.vector_load %arg8[%get3A_289, %get3A_290, %get3A_291] {strides = array<i32>} : memref<4x128x64xf32, #tpu.memory_space<vmem>>, vector<1x1x16xf32>,
        %get3A_293 = vector.shape_cast %get3A_292 : vector<1x1x16xf32> to vector<16xf32>
        %add3A_294 = arith.addf %add3A_262, %get3A_293 : vector<16xf32>
        %get3A_295 = arith.constant 1 : i32
        %get3A_296 = arith.index_cast %get3A_295 : i32 to index
        %get3A_297 = arith.index_cast %add3A_273 : i32 to index
        %get3A_298 = arith.constant 48 : index
        %get3A_299 = tpu.vector_load %arg8[%get3A_296, %get3A_297, %get3A_298] {strides = array<i32>} : memref<4x128x64xf32, #tpu.memory_space<vmem>>, vector<1x1x16xf32>,
        %get3A_300 = vector.shape_cast %get3A_299 : vector<1x1x16xf32> to vector<16xf32>
        %add3A_301 = arith.addf %add3A_269, %get3A_300 : vector<16xf32>
        %mul3A_302 = arith.constant 4 : i32
        %mul3A_303 = arith.muli %scan3A_202, %mul3A_302 : i32
        %add3A_304 = arith.constant 3 : i32
        %add3A_305 = arith.addi %mul3A_303, %add3A_304 : i32
        %get3A_306 = arith.constant 1 : i32
        %get3A_307 = arith.index_cast %get3A_306 : i32 to index
        %get3A_308 = arith.index_cast %add3A_305 : i32 to index
        %get3A_309 = arith.constant 0 : index
        %get3A_310 = tpu.vector_load %arg8[%get3A_307, %get3A_308, %get3A_309] {strides = array<i32>} : memref<4x128x64xf32, #tpu.memory_space<vmem>>, vector<1x1x16xf32>,
        %get3A_311 = vector.shape_cast %get3A_310 : vector<1x1x16xf32> to vector<16xf32>
        %add3A_312 = arith.addf %add3A_280, %get3A_311 : vector<16xf32>
        %get3A_313 = arith.constant 1 : i32
        %get3A_314 = arith.index_cast %get3A_313 : i32 to index
        %get3A_315 = arith.index_cast %add3A_305 : i32 to index
        %get3A_316 = arith.constant 16 : index
        %get3A_317 = tpu.vector_load %arg8[%get3A_314, %get3A_315, %get3A_316] {strides = array<i32>} : memref<4x128x64xf32, #tpu.memory_space<vmem>>, vector<1x1x16xf32>,
        %get3A_318 = vector.shape_cast %get3A_317 : vector<1x1x16xf32> to vector<16xf32>
        %add3A_319 = arith.addf %add3A_287, %get3A_318 : vector<16xf32>
        %get3A_320 = arith.constant 1 : i32
        %get3A_321 = arith.index_cast %get3A_320 : i32 to index
        %get3A_322 = arith.index_cast %add3A_305 : i32 to index
        %get3A_323 = arith.constant 32 : index
        %get3A_324 = tpu.vector_load %arg8[%get3A_321, %get3A_322, %get3A_323] {strides = array<i32>} : memref<4x128x64xf32, #tpu.memory_space<vmem>>, vector<1x1x16xf32>,
        %get3A_325 = vector.shape_cast %get3A_324 : vector<1x1x16xf32> to vector<16xf32>
        %add3A_326 = arith.addf %add3A_294, %get3A_325 : vector<16xf32>
        %get3A_327 = arith.constant 1 : i32
        %get3A_328 = arith.index_cast %get3A_327 : i32 to index
        %get3A_329 = arith.index_cast %add3A_305 : i32 to index
        %get3A_330 = arith.constant 48 : index
        %get3A_331 = tpu.vector_load %arg8[%get3A_328, %get3A_329, %get3A_330] {strides = array<i32>} : memref<4x128x64xf32, #tpu.memory_space<vmem>>, vector<1x1x16xf32>,
        %get3A_332 = vector.shape_cast %get3A_331 : vector<1x1x16xf32> to vector<16xf32>
        %add3A_333 = arith.addf %add3A_301, %get3A_332 : vector<16xf32>
        scf.yield %add3A_312, %add3A_319, %add3A_326, %add3A_333 : vector<16xf32>, vector<16xf32>, vector<16xf32>, vector<16xf32>
      }
      %scan3A_130 = arith.constant 32 : i32
      %add3A_131 = arith.constant 4 : i32
      %add3A_132 = arith.addi %add3A_109, %add3A_131 : i32
      %lt3A_133 = arith.constant 196 : i32
      %lt3A_134 = arith.cmpi slt, %add3A_132, %lt3A_133 : i32
      %convert_element_type3A_135 = arith.extui %lt3A_134 : i1 to i32
      %cond3A_136 = arith.constant 0 : i32
      %cond3A_137 = arith.cmpi ne, %convert_element_type3A_135, %cond3A_136 : i32
      scf.if %cond3A_137 {
        %add3A_202 = arith.constant 4 : i32
        %add3A_203 = arith.addi %add3A_109, %add3A_202 : i32
        %mul3A_204 = arith.constant 128 : i32
        %mul3A_205 = arith.muli %add3A_203, %mul3A_204 : i32
        %dma_start3A_206 = arith.constant 1 : i32
        %dma_start3A_207 = arith.constant 0 : i32
        %dma_start3A_208 = arith.constant 0 : i32
        %dma_start3A_209 = tpu.memref_slice %arg8[%dma_start3A_206, %dma_start3A_207, %dma_start3A_208] : memref<4x128x64xf32, #tpu.memory_space<vmem>> -> memref<1x128x64xf32, #tpu.memory_space<vmem>>
        %dma_start3A_210 = tpu.memref_squeeze %dma_start3A_209 : memref<1x128x64xf32, #tpu.memory_space<vmem>> -> memref<128x64xf32, #tpu.memory_space<vmem>>
        %dma_start3A_211 = tpu.memref_slice %arg7[%mul3A_205] : memref<25088xi32, #tpu.memory_space<vmem>> -> memref<128xi32, #tpu.memory_space<vmem>>
        %dma_start3A_212 = arith.constant 0 : i32
        %dma_start3A_213 = arith.constant 0 : i32
        %dma_start3A_214 = tpu.memref_slice %arg3[%dma_start3A_212, %dma_start3A_213] : memref<1000000x64xf32, #tpu.memory_space<hbm>> -> memref<1000000x64xf32, #tpu.memory_space<hbm>>
        tpu.enqueue_indirect_dma source(%dma_start3A_214 : memref<1000000x64xf32, #tpu.memory_space<hbm>>) target(%dma_start3A_210 : memref<128x64xf32, #tpu.memory_space<vmem>>) offsets(%dma_start3A_211 : memref<128xi32, #tpu.memory_space<vmem>>) semaphore(%arg11 : memref<!tpu.dma_semaphore, #tpu.memory_space<semaphore_mem>>)
      } else {
      }
      %mul3A_138 = arith.constant 4 : i32
      %mul3A_139 = arith.muli %scan3A_73, %mul3A_138 : i32
      %add3A_140 = arith.constant 2 : i32
      %add3A_141 = arith.addi %mul3A_139, %add3A_140 : i32
      %dma_wait3A_142 = arith.constant 2 : i32
      %dma_wait3A_143 = arith.constant 0 : i32
      %dma_wait3A_144 = arith.constant 0 : i32
      %dma_wait3A_145 = tpu.memref_slice %arg8[%dma_wait3A_142, %dma_wait3A_143, %dma_wait3A_144] : memref<4x128x64xf32, #tpu.memory_space<vmem>> -> memref<1x128x64xf32, #tpu.memory_space<vmem>>
      %dma_wait3A_146 = tpu.memref_squeeze %dma_wait3A_145 : memref<1x128x64xf32, #tpu.memory_space<vmem>> -> memref<128x64xf32, #tpu.memory_space<vmem>>
      %dma_wait3A_147 = arith.constant 0 : i32
      %dma_wait3A_148 = arith.constant 0 : i32
      %dma_wait3A_149 = tpu.memref_slice %arg3[%dma_wait3A_147, %dma_wait3A_148] : memref<1000000x64xf32, #tpu.memory_space<hbm>> -> memref<128x64xf32, #tpu.memory_space<hbm>>
      %dma_wait3A_150 = arith.constant 0 : i32
      %dma_wait3A_151 = arith.constant 0 : i32
      %dma_wait3A_152 = tpu.memref_slice %arg8[%dma_wait3A_142, %dma_wait3A_150, %dma_wait3A_151] : memref<4x128x64xf32, #tpu.memory_space<vmem>> -> memref<1x128x64xf32, #tpu.memory_space<vmem>>
      %dma_wait3A_153 = tpu.memref_squeeze %dma_wait3A_152 : memref<1x128x64xf32, #tpu.memory_space<vmem>> -> memref<128x64xf32, #tpu.memory_space<vmem>>
      %dma_wait3A_154 = arith.constant 0 : i32
      %dma_wait3A_155 = arith.constant 0 : i32
      %dma_wait3A_156 = tpu.memref_slice %arg3[%dma_wait3A_154, %dma_wait3A_155] : memref<1000000x64xf32, #tpu.memory_space<hbm>> -> memref<128x64xf32, #tpu.memory_space<hbm>>
      tpu.wait_dma2 semaphore(%arg12 : memref<!tpu.dma_semaphore, #tpu.memory_space<semaphore_mem>>) src(%dma_wait3A_156 : memref<128x64xf32, #tpu.memory_space<hbm>>) dst(%dma_wait3A_153 : memref<128x64xf32, #tpu.memory_space<vmem>>)
      %scan3A_157 = arith.constant 0 : i32
      %scan3A_158 = arith.constant 32 : i32
      %scan3A_159 = arith.addi %scan3A_157, %scan3A_158 : i32
      %scan3A_160 = arith.constant 1 : i32
      %scan3A_161:4 = scf.for %scan3A_202 = %scan3A_157 to %scan3A_159 step %scan3A_160 iter_args(%scan3A_203 = %scan3A_129#0, %scan3A_204 = %scan3A_129#1, %scan3A_205 = %scan3A_129#2, %scan3A_206 = %scan3A_129#3) -> (vector<16xf32>, vector<16xf32>, vector<16xf32>, vector<16xf32>)  : i32 {
        %mul3A_207 = arith.constant 4 : i32
        %mul3A_208 = arith.muli %scan3A_202, %mul3A_207 : i32
        %add3A_209 = arith.constant 0 : i32
        %add3A_210 = arith.addi %mul3A_208, %add3A_209 : i32
        %get3A = arith.constant 2 : i32
        %get3A_211 = arith.index_cast %get3A : i32 to index
        %get3A_212 = arith.index_cast %add3A_210 : i32 to index
        %get3A_213 = arith.constant 0 : index
        %get3A_214 = tpu.vector_load %arg8[%get3A_211, %get3A_212, %get3A_213] {strides = array<i32>} : memref<4x128x64xf32, #tpu.memory_space<vmem>>, vector<1x1x16xf32>,
        %get3A_215 = vector.shape_cast %get3A_214 : vector<1x1x16xf32> to vector<16xf32>
        %add3A_216 = arith.addf %scan3A_203, %get3A_215 : vector<16xf32>
        %get3A_217 = arith.constant 2 : i32
        %get3A_218 = arith.index_cast %get3A_217 : i32 to index
        %get3A_219 = arith.index_cast %add3A_210 : i32 to index
        %get3A_220 = arith.constant 16 : index
        %get3A_221 = tpu.vector_load %arg8[%get3A_218, %get3A_219, %get3A_220] {strides = array<i32>} : memref<4x128x64xf32, #tpu.memory_space<vmem>>, vector<1x1x16xf32>,
        %get3A_222 = vector.shape_cast %get3A_221 : vector<1x1x16xf32> to vector<16xf32>
        %add3A_223 = arith.addf %scan3A_204, %get3A_222 : vector<16xf32>
        %get3A_224 = arith.constant 2 : i32
        %get3A_225 = arith.index_cast %get3A_224 : i32 to index
        %get3A_226 = arith.index_cast %add3A_210 : i32 to index
        %get3A_227 = arith.constant 32 : index
        %get3A_228 = tpu.vector_load %arg8[%get3A_225, %get3A_226, %get3A_227] {strides = array<i32>} : memref<4x128x64xf32, #tpu.memory_space<vmem>>, vector<1x1x16xf32>,
        %get3A_229 = vector.shape_cast %get3A_228 : vector<1x1x16xf32> to vector<16xf32>
        %add3A_230 = arith.addf %scan3A_205, %get3A_229 : vector<16xf32>
        %get3A_231 = arith.constant 2 : i32
        %get3A_232 = arith.index_cast %get3A_231 : i32 to index
        %get3A_233 = arith.index_cast %add3A_210 : i32 to index
        %get3A_234 = arith.constant 48 : index
        %get3A_235 = tpu.vector_load %arg8[%get3A_232, %get3A_233, %get3A_234] {strides = array<i32>} : memref<4x128x64xf32, #tpu.memory_space<vmem>>, vector<1x1x16xf32>,
        %get3A_236 = vector.shape_cast %get3A_235 : vector<1x1x16xf32> to vector<16xf32>
        %add3A_237 = arith.addf %scan3A_206, %get3A_236 : vector<16xf32>
        %mul3A_238 = arith.constant 4 : i32
        %mul3A_239 = arith.muli %scan3A_202, %mul3A_238 : i32
        %add3A_240 = arith.constant 1 : i32
        %add3A_241 = arith.addi %mul3A_239, %add3A_240 : i32
        %get3A_242 = arith.constant 2 : i32
        %get3A_243 = arith.index_cast %get3A_242 : i32 to index
        %get3A_244 = arith.index_cast %add3A_241 : i32 to index
        %get3A_245 = arith.constant 0 : index
        %get3A_246 = tpu.vector_load %arg8[%get3A_243, %get3A_244, %get3A_245] {strides = array<i32>} : memref<4x128x64xf32, #tpu.memory_space<vmem>>, vector<1x1x16xf32>,
        %get3A_247 = vector.shape_cast %get3A_246 : vector<1x1x16xf32> to vector<16xf32>
        %add3A_248 = arith.addf %add3A_216, %get3A_247 : vector<16xf32>
        %get3A_249 = arith.constant 2 : i32
        %get3A_250 = arith.index_cast %get3A_249 : i32 to index
        %get3A_251 = arith.index_cast %add3A_241 : i32 to index
        %get3A_252 = arith.constant 16 : index
        %get3A_253 = tpu.vector_load %arg8[%get3A_250, %get3A_251, %get3A_252] {strides = array<i32>} : memref<4x128x64xf32, #tpu.memory_space<vmem>>, vector<1x1x16xf32>,
        %get3A_254 = vector.shape_cast %get3A_253 : vector<1x1x16xf32> to vector<16xf32>
        %add3A_255 = arith.addf %add3A_223, %get3A_254 : vector<16xf32>
        %get3A_256 = arith.constant 2 : i32
        %get3A_257 = arith.index_cast %get3A_256 : i32 to index
        %get3A_258 = arith.index_cast %add3A_241 : i32 to index
        %get3A_259 = arith.constant 32 : index
        %get3A_260 = tpu.vector_load %arg8[%get3A_257, %get3A_258, %get3A_259] {strides = array<i32>} : memref<4x128x64xf32, #tpu.memory_space<vmem>>, vector<1x1x16xf32>,
        %get3A_261 = vector.shape_cast %get3A_260 : vector<1x1x16xf32> to vector<16xf32>
        %add3A_262 = arith.addf %add3A_230, %get3A_261 : vector<16xf32>
        %get3A_263 = arith.constant 2 : i32
        %get3A_264 = arith.index_cast %get3A_263 : i32 to index
        %get3A_265 = arith.index_cast %add3A_241 : i32 to index
        %get3A_266 = arith.constant 48 : index
        %get3A_267 = tpu.vector_load %arg8[%get3A_264, %get3A_265, %get3A_266] {strides = array<i32>} : memref<4x128x64xf32, #tpu.memory_space<vmem>>, vector<1x1x16xf32>,
        %get3A_268 = vector.shape_cast %get3A_267 : vector<1x1x16xf32> to vector<16xf32>
        %add3A_269 = arith.addf %add3A_237, %get3A_268 : vector<16xf32>
        %mul3A_270 = arith.constant 4 : i32
        %mul3A_271 = arith.muli %scan3A_202, %mul3A_270 : i32
        %add3A_272 = arith.constant 2 : i32
        %add3A_273 = arith.addi %mul3A_271, %add3A_272 : i32
        %get3A_274 = arith.constant 2 : i32
        %get3A_275 = arith.index_cast %get3A_274 : i32 to index
        %get3A_276 = arith.index_cast %add3A_273 : i32 to index
        %get3A_277 = arith.constant 0 : index
        %get3A_278 = tpu.vector_load %arg8[%get3A_275, %get3A_276, %get3A_277] {strides = array<i32>} : memref<4x128x64xf32, #tpu.memory_space<vmem>>, vector<1x1x16xf32>,
        %get3A_279 = vector.shape_cast %get3A_278 : vector<1x1x16xf32> to vector<16xf32>
        %add3A_280 = arith.addf %add3A_248, %get3A_279 : vector<16xf32>
        %get3A_281 = arith.constant 2 : i32
        %get3A_282 = arith.index_cast %get3A_281 : i32 to index
        %get3A_283 = arith.index_cast %add3A_273 : i32 to index
        %get3A_284 = arith.constant 16 : index
        %get3A_285 = tpu.vector_load %arg8[%get3A_282, %get3A_283, %get3A_284] {strides = array<i32>} : memref<4x128x64xf32, #tpu.memory_space<vmem>>, vector<1x1x16xf32>,
        %get3A_286 = vector.shape_cast %get3A_285 : vector<1x1x16xf32> to vector<16xf32>
        %add3A_287 = arith.addf %add3A_255, %get3A_286 : vector<16xf32>
        %get3A_288 = arith.constant 2 : i32
        %get3A_289 = arith.index_cast %get3A_288 : i32 to index
        %get3A_290 = arith.index_cast %add3A_273 : i32 to index
        %get3A_291 = arith.constant 32 : index
        %get3A_292 = tpu.vector_load %arg8[%get3A_289, %get3A_290, %get3A_291] {strides = array<i32>} : memref<4x128x64xf32, #tpu.memory_space<vmem>>, vector<1x1x16xf32>,
        %get3A_293 = vector.shape_cast %get3A_292 : vector<1x1x16xf32> to vector<16xf32>
        %add3A_294 = arith.addf %add3A_262, %get3A_293 : vector<16xf32>
        %get3A_295 = arith.constant 2 : i32
        %get3A_296 = arith.index_cast %get3A_295 : i32 to index
        %get3A_297 = arith.index_cast %add3A_273 : i32 to index
        %get3A_298 = arith.constant 48 : index
        %get3A_299 = tpu.vector_load %arg8[%get3A_296, %get3A_297, %get3A_298] {strides = array<i32>} : memref<4x128x64xf32, #tpu.memory_space<vmem>>, vector<1x1x16xf32>,
        %get3A_300 = vector.shape_cast %get3A_299 : vector<1x1x16xf32> to vector<16xf32>
        %add3A_301 = arith.addf %add3A_269, %get3A_300 : vector<16xf32>
        %mul3A_302 = arith.constant 4 : i32
        %mul3A_303 = arith.muli %scan3A_202, %mul3A_302 : i32
        %add3A_304 = arith.constant 3 : i32
        %add3A_305 = arith.addi %mul3A_303, %add3A_304 : i32
        %get3A_306 = arith.constant 2 : i32
        %get3A_307 = arith.index_cast %get3A_306 : i32 to index
        %get3A_308 = arith.index_cast %add3A_305 : i32 to index
        %get3A_309 = arith.constant 0 : index
        %get3A_310 = tpu.vector_load %arg8[%get3A_307, %get3A_308, %get3A_309] {strides = array<i32>} : memref<4x128x64xf32, #tpu.memory_space<vmem>>, vector<1x1x16xf32>,
        %get3A_311 = vector.shape_cast %get3A_310 : vector<1x1x16xf32> to vector<16xf32>
        %add3A_312 = arith.addf %add3A_280, %get3A_311 : vector<16xf32>
        %get3A_313 = arith.constant 2 : i32
        %get3A_314 = arith.index_cast %get3A_313 : i32 to index
        %get3A_315 = arith.index_cast %add3A_305 : i32 to index
        %get3A_316 = arith.constant 16 : index
        %get3A_317 = tpu.vector_load %arg8[%get3A_314, %get3A_315, %get3A_316] {strides = array<i32>} : memref<4x128x64xf32, #tpu.memory_space<vmem>>, vector<1x1x16xf32>,
        %get3A_318 = vector.shape_cast %get3A_317 : vector<1x1x16xf32> to vector<16xf32>
        %add3A_319 = arith.addf %add3A_287, %get3A_318 : vector<16xf32>
        %get3A_320 = arith.constant 2 : i32
        %get3A_321 = arith.index_cast %get3A_320 : i32 to index
        %get3A_322 = arith.index_cast %add3A_305 : i32 to index
        %get3A_323 = arith.constant 32 : index
        %get3A_324 = tpu.vector_load %arg8[%get3A_321, %get3A_322, %get3A_323] {strides = array<i32>} : memref<4x128x64xf32, #tpu.memory_space<vmem>>, vector<1x1x16xf32>,
        %get3A_325 = vector.shape_cast %get3A_324 : vector<1x1x16xf32> to vector<16xf32>
        %add3A_326 = arith.addf %add3A_294, %get3A_325 : vector<16xf32>
        %get3A_327 = arith.constant 2 : i32
        %get3A_328 = arith.index_cast %get3A_327 : i32 to index
        %get3A_329 = arith.index_cast %add3A_305 : i32 to index
        %get3A_330 = arith.constant 48 : index
        %get3A_331 = tpu.vector_load %arg8[%get3A_328, %get3A_329, %get3A_330] {strides = array<i32>} : memref<4x128x64xf32, #tpu.memory_space<vmem>>, vector<1x1x16xf32>,
        %get3A_332 = vector.shape_cast %get3A_331 : vector<1x1x16xf32> to vector<16xf32>
        %add3A_333 = arith.addf %add3A_301, %get3A_332 : vector<16xf32>
        scf.yield %add3A_312, %add3A_319, %add3A_326, %add3A_333 : vector<16xf32>, vector<16xf32>, vector<16xf32>, vector<16xf32>
      }
      %scan3A_162 = arith.constant 32 : i32
      %add3A_163 = arith.constant 4 : i32
      %add3A_164 = arith.addi %add3A_141, %add3A_163 : i32
      %lt3A_165 = arith.constant 196 : i32
      %lt3A_166 = arith.cmpi slt, %add3A_164, %lt3A_165 : i32
      %convert_element_type3A_167 = arith.extui %lt3A_166 : i1 to i32
      %cond3A_168 = arith.constant 0 : i32
      %cond3A_169 = arith.cmpi ne, %convert_element_type3A_167, %cond3A_168 : i32
      scf.if %cond3A_169 {
        %add3A_202 = arith.constant 4 : i32
        %add3A_203 = arith.addi %add3A_141, %add3A_202 : i32
        %mul3A_204 = arith.constant 128 : i32
        %mul3A_205 = arith.muli %add3A_203, %mul3A_204 : i32
        %dma_start3A_206 = arith.constant 2 : i32
        %dma_start3A_207 = arith.constant 0 : i32
        %dma_start3A_208 = arith.constant 0 : i32
        %dma_start3A_209 = tpu.memref_slice %arg8[%dma_start3A_206, %dma_start3A_207, %dma_start3A_208] : memref<4x128x64xf32, #tpu.memory_space<vmem>> -> memref<1x128x64xf32, #tpu.memory_space<vmem>>
        %dma_start3A_210 = tpu.memref_squeeze %dma_start3A_209 : memref<1x128x64xf32, #tpu.memory_space<vmem>> -> memref<128x64xf32, #tpu.memory_space<vmem>>
        %dma_start3A_211 = tpu.memref_slice %arg7[%mul3A_205] : memref<25088xi32, #tpu.memory_space<vmem>> -> memref<128xi32, #tpu.memory_space<vmem>>
        %dma_start3A_212 = arith.constant 0 : i32
        %dma_start3A_213 = arith.constant 0 : i32
        %dma_start3A_214 = tpu.memref_slice %arg3[%dma_start3A_212, %dma_start3A_213] : memref<1000000x64xf32, #tpu.memory_space<hbm>> -> memref<1000000x64xf32, #tpu.memory_space<hbm>>
        tpu.enqueue_indirect_dma source(%dma_start3A_214 : memref<1000000x64xf32, #tpu.memory_space<hbm>>) target(%dma_start3A_210 : memref<128x64xf32, #tpu.memory_space<vmem>>) offsets(%dma_start3A_211 : memref<128xi32, #tpu.memory_space<vmem>>) semaphore(%arg12 : memref<!tpu.dma_semaphore, #tpu.memory_space<semaphore_mem>>)
      } else {
      }
      %mul3A_170 = arith.constant 4 : i32
      %mul3A_171 = arith.muli %scan3A_73, %mul3A_170 : i32
      %add3A_172 = arith.constant 3 : i32
      %add3A_173 = arith.addi %mul3A_171, %add3A_172 : i32
      %dma_wait3A_174 = arith.constant 3 : i32
      %dma_wait3A_175 = arith.constant 0 : i32
      %dma_wait3A_176 = arith.constant 0 : i32
      %dma_wait3A_177 = tpu.memref_slice %arg8[%dma_wait3A_174, %dma_wait3A_175, %dma_wait3A_176] : memref<4x128x64xf32, #tpu.memory_space<vmem>> -> memref<1x128x64xf32, #tpu.memory_space<vmem>>
      %dma_wait3A_178 = tpu.memref_squeeze %dma_wait3A_177 : memref<1x128x64xf32, #tpu.memory_space<vmem>> -> memref<128x64xf32, #tpu.memory_space<vmem>>
      %dma_wait3A_179 = arith.constant 0 : i32
      %dma_wait3A_180 = arith.constant 0 : i32
      %dma_wait3A_181 = tpu.memref_slice %arg3[%dma_wait3A_179, %dma_wait3A_180] : memref<1000000x64xf32, #tpu.memory_space<hbm>> -> memref<128x64xf32, #tpu.memory_space<hbm>>
      %dma_wait3A_182 = arith.constant 0 : i32
      %dma_wait3A_183 = arith.constant 0 : i32
      %dma_wait3A_184 = tpu.memref_slice %arg8[%dma_wait3A_174, %dma_wait3A_182, %dma_wait3A_183] : memref<4x128x64xf32, #tpu.memory_space<vmem>> -> memref<1x128x64xf32, #tpu.memory_space<vmem>>
      %dma_wait3A_185 = tpu.memref_squeeze %dma_wait3A_184 : memref<1x128x64xf32, #tpu.memory_space<vmem>> -> memref<128x64xf32, #tpu.memory_space<vmem>>
      %dma_wait3A_186 = arith.constant 0 : i32
      %dma_wait3A_187 = arith.constant 0 : i32
      %dma_wait3A_188 = tpu.memref_slice %arg3[%dma_wait3A_186, %dma_wait3A_187] : memref<1000000x64xf32, #tpu.memory_space<hbm>> -> memref<128x64xf32, #tpu.memory_space<hbm>>
      tpu.wait_dma2 semaphore(%arg13 : memref<!tpu.dma_semaphore, #tpu.memory_space<semaphore_mem>>) src(%dma_wait3A_188 : memref<128x64xf32, #tpu.memory_space<hbm>>) dst(%dma_wait3A_185 : memref<128x64xf32, #tpu.memory_space<vmem>>)
      %scan3A_189 = arith.constant 0 : i32
      %scan3A_190 = arith.constant 32 : i32
      %scan3A_191 = arith.addi %scan3A_189, %scan3A_190 : i32
      %scan3A_192 = arith.constant 1 : i32
      %scan3A_193:4 = scf.for %scan3A_202 = %scan3A_189 to %scan3A_191 step %scan3A_192 iter_args(%scan3A_203 = %scan3A_161#0, %scan3A_204 = %scan3A_161#1, %scan3A_205 = %scan3A_161#2, %scan3A_206 = %scan3A_161#3) -> (vector<16xf32>, vector<16xf32>, vector<16xf32>, vector<16xf32>)  : i32 {
        %mul3A_207 = arith.constant 4 : i32
        %mul3A_208 = arith.muli %scan3A_202, %mul3A_207 : i32
        %add3A_209 = arith.constant 0 : i32
        %add3A_210 = arith.addi %mul3A_208, %add3A_209 : i32
        %get3A = arith.constant 3 : i32
        %get3A_211 = arith.index_cast %get3A : i32 to index
        %get3A_212 = arith.index_cast %add3A_210 : i32 to index
        %get3A_213 = arith.constant 0 : index
        %get3A_214 = tpu.vector_load %arg8[%get3A_211, %get3A_212, %get3A_213] {strides = array<i32>} : memref<4x128x64xf32, #tpu.memory_space<vmem>>, vector<1x1x16xf32>,
        %get3A_215 = vector.shape_cast %get3A_214 : vector<1x1x16xf32> to vector<16xf32>
        %add3A_216 = arith.addf %scan3A_203, %get3A_215 : vector<16xf32>
        %get3A_217 = arith.constant 3 : i32
        %get3A_218 = arith.index_cast %get3A_217 : i32 to index
        %get3A_219 = arith.index_cast %add3A_210 : i32 to index
        %get3A_220 = arith.constant 16 : index
        %get3A_221 = tpu.vector_load %arg8[%get3A_218, %get3A_219, %get3A_220] {strides = array<i32>} : memref<4x128x64xf32, #tpu.memory_space<vmem>>, vector<1x1x16xf32>,
        %get3A_222 = vector.shape_cast %get3A_221 : vector<1x1x16xf32> to vector<16xf32>
        %add3A_223 = arith.addf %scan3A_204, %get3A_222 : vector<16xf32>
        %get3A_224 = arith.constant 3 : i32
        %get3A_225 = arith.index_cast %get3A_224 : i32 to index
        %get3A_226 = arith.index_cast %add3A_210 : i32 to index
        %get3A_227 = arith.constant 32 : index
        %get3A_228 = tpu.vector_load %arg8[%get3A_225, %get3A_226, %get3A_227] {strides = array<i32>} : memref<4x128x64xf32, #tpu.memory_space<vmem>>, vector<1x1x16xf32>,
        %get3A_229 = vector.shape_cast %get3A_228 : vector<1x1x16xf32> to vector<16xf32>
        %add3A_230 = arith.addf %scan3A_205, %get3A_229 : vector<16xf32>
        %get3A_231 = arith.constant 3 : i32
        %get3A_232 = arith.index_cast %get3A_231 : i32 to index
        %get3A_233 = arith.index_cast %add3A_210 : i32 to index
        %get3A_234 = arith.constant 48 : index
        %get3A_235 = tpu.vector_load %arg8[%get3A_232, %get3A_233, %get3A_234] {strides = array<i32>} : memref<4x128x64xf32, #tpu.memory_space<vmem>>, vector<1x1x16xf32>,
        %get3A_236 = vector.shape_cast %get3A_235 : vector<1x1x16xf32> to vector<16xf32>
        %add3A_237 = arith.addf %scan3A_206, %get3A_236 : vector<16xf32>
        %mul3A_238 = arith.constant 4 : i32
        %mul3A_239 = arith.muli %scan3A_202, %mul3A_238 : i32
        %add3A_240 = arith.constant 1 : i32
        %add3A_241 = arith.addi %mul3A_239, %add3A_240 : i32
        %get3A_242 = arith.constant 3 : i32
        %get3A_243 = arith.index_cast %get3A_242 : i32 to index
        %get3A_244 = arith.index_cast %add3A_241 : i32 to index
        %get3A_245 = arith.constant 0 : index
        %get3A_246 = tpu.vector_load %arg8[%get3A_243, %get3A_244, %get3A_245] {strides = array<i32>} : memref<4x128x64xf32, #tpu.memory_space<vmem>>, vector<1x1x16xf32>,
        %get3A_247 = vector.shape_cast %get3A_246 : vector<1x1x16xf32> to vector<16xf32>
        %add3A_248 = arith.addf %add3A_216, %get3A_247 : vector<16xf32>
        %get3A_249 = arith.constant 3 : i32
        %get3A_250 = arith.index_cast %get3A_249 : i32 to index
        %get3A_251 = arith.index_cast %add3A_241 : i32 to index
        %get3A_252 = arith.constant 16 : index
        %get3A_253 = tpu.vector_load %arg8[%get3A_250, %get3A_251, %get3A_252] {strides = array<i32>} : memref<4x128x64xf32, #tpu.memory_space<vmem>>, vector<1x1x16xf32>,
        %get3A_254 = vector.shape_cast %get3A_253 : vector<1x1x16xf32> to vector<16xf32>
        %add3A_255 = arith.addf %add3A_223, %get3A_254 : vector<16xf32>
        %get3A_256 = arith.constant 3 : i32
        %get3A_257 = arith.index_cast %get3A_256 : i32 to index
        %get3A_258 = arith.index_cast %add3A_241 : i32 to index
        %get3A_259 = arith.constant 32 : index
        %get3A_260 = tpu.vector_load %arg8[%get3A_257, %get3A_258, %get3A_259] {strides = array<i32>} : memref<4x128x64xf32, #tpu.memory_space<vmem>>, vector<1x1x16xf32>,
        %get3A_261 = vector.shape_cast %get3A_260 : vector<1x1x16xf32> to vector<16xf32>
        %add3A_262 = arith.addf %add3A_230, %get3A_261 : vector<16xf32>
        %get3A_263 = arith.constant 3 : i32
        %get3A_264 = arith.index_cast %get3A_263 : i32 to index
        %get3A_265 = arith.index_cast %add3A_241 : i32 to index
        %get3A_266 = arith.constant 48 : index
        %get3A_267 = tpu.vector_load %arg8[%get3A_264, %get3A_265, %get3A_266] {strides = array<i32>} : memref<4x128x64xf32, #tpu.memory_space<vmem>>, vector<1x1x16xf32>,
        %get3A_268 = vector.shape_cast %get3A_267 : vector<1x1x16xf32> to vector<16xf32>
        %add3A_269 = arith.addf %add3A_237, %get3A_268 : vector<16xf32>
        %mul3A_270 = arith.constant 4 : i32
        %mul3A_271 = arith.muli %scan3A_202, %mul3A_270 : i32
        %add3A_272 = arith.constant 2 : i32
        %add3A_273 = arith.addi %mul3A_271, %add3A_272 : i32
        %get3A_274 = arith.constant 3 : i32
        %get3A_275 = arith.index_cast %get3A_274 : i32 to index
        %get3A_276 = arith.index_cast %add3A_273 : i32 to index
        %get3A_277 = arith.constant 0 : index
        %get3A_278 = tpu.vector_load %arg8[%get3A_275, %get3A_276, %get3A_277] {strides = array<i32>} : memref<4x128x64xf32, #tpu.memory_space<vmem>>, vector<1x1x16xf32>,
        %get3A_279 = vector.shape_cast %get3A_278 : vector<1x1x16xf32> to vector<16xf32>
        %add3A_280 = arith.addf %add3A_248, %get3A_279 : vector<16xf32>
        %get3A_281 = arith.constant 3 : i32
        %get3A_282 = arith.index_cast %get3A_281 : i32 to index
        %get3A_283 = arith.index_cast %add3A_273 : i32 to index
        %get3A_284 = arith.constant 16 : index
        %get3A_285 = tpu.vector_load %arg8[%get3A_282, %get3A_283, %get3A_284] {strides = array<i32>} : memref<4x128x64xf32, #tpu.memory_space<vmem>>, vector<1x1x16xf32>,
        %get3A_286 = vector.shape_cast %get3A_285 : vector<1x1x16xf32> to vector<16xf32>
        %add3A_287 = arith.addf %add3A_255, %get3A_286 : vector<16xf32>
        %get3A_288 = arith.constant 3 : i32
        %get3A_289 = arith.index_cast %get3A_288 : i32 to index
        %get3A_290 = arith.index_cast %add3A_273 : i32 to index
        %get3A_291 = arith.constant 32 : index
        %get3A_292 = tpu.vector_load %arg8[%get3A_289, %get3A_290, %get3A_291] {strides = array<i32>} : memref<4x128x64xf32, #tpu.memory_space<vmem>>, vector<1x1x16xf32>,
        %get3A_293 = vector.shape_cast %get3A_292 : vector<1x1x16xf32> to vector<16xf32>
        %add3A_294 = arith.addf %add3A_262, %get3A_293 : vector<16xf32>
        %get3A_295 = arith.constant 3 : i32
        %get3A_296 = arith.index_cast %get3A_295 : i32 to index
        %get3A_297 = arith.index_cast %add3A_273 : i32 to index
        %get3A_298 = arith.constant 48 : index
        %get3A_299 = tpu.vector_load %arg8[%get3A_296, %get3A_297, %get3A_298] {strides = array<i32>} : memref<4x128x64xf32, #tpu.memory_space<vmem>>, vector<1x1x16xf32>,
        %get3A_300 = vector.shape_cast %get3A_299 : vector<1x1x16xf32> to vector<16xf32>
        %add3A_301 = arith.addf %add3A_269, %get3A_300 : vector<16xf32>
        %mul3A_302 = arith.constant 4 : i32
        %mul3A_303 = arith.muli %scan3A_202, %mul3A_302 : i32
        %add3A_304 = arith.constant 3 : i32
        %add3A_305 = arith.addi %mul3A_303, %add3A_304 : i32
        %get3A_306 = arith.constant 3 : i32
        %get3A_307 = arith.index_cast %get3A_306 : i32 to index
        %get3A_308 = arith.index_cast %add3A_305 : i32 to index
        %get3A_309 = arith.constant 0 : index
        %get3A_310 = tpu.vector_load %arg8[%get3A_307, %get3A_308, %get3A_309] {strides = array<i32>} : memref<4x128x64xf32, #tpu.memory_space<vmem>>, vector<1x1x16xf32>,
        %get3A_311 = vector.shape_cast %get3A_310 : vector<1x1x16xf32> to vector<16xf32>
        %add3A_312 = arith.addf %add3A_280, %get3A_311 : vector<16xf32>
        %get3A_313 = arith.constant 3 : i32
        %get3A_314 = arith.index_cast %get3A_313 : i32 to index
        %get3A_315 = arith.index_cast %add3A_305 : i32 to index
        %get3A_316 = arith.constant 16 : index
        %get3A_317 = tpu.vector_load %arg8[%get3A_314, %get3A_315, %get3A_316] {strides = array<i32>} : memref<4x128x64xf32, #tpu.memory_space<vmem>>, vector<1x1x16xf32>,
        %get3A_318 = vector.shape_cast %get3A_317 : vector<1x1x16xf32> to vector<16xf32>
        %add3A_319 = arith.addf %add3A_287, %get3A_318 : vector<16xf32>
        %get3A_320 = arith.constant 3 : i32
        %get3A_321 = arith.index_cast %get3A_320 : i32 to index
        %get3A_322 = arith.index_cast %add3A_305 : i32 to index
        %get3A_323 = arith.constant 32 : index
        %get3A_324 = tpu.vector_load %arg8[%get3A_321, %get3A_322, %get3A_323] {strides = array<i32>} : memref<4x128x64xf32, #tpu.memory_space<vmem>>, vector<1x1x16xf32>,
        %get3A_325 = vector.shape_cast %get3A_324 : vector<1x1x16xf32> to vector<16xf32>
        %add3A_326 = arith.addf %add3A_294, %get3A_325 : vector<16xf32>
        %get3A_327 = arith.constant 3 : i32
        %get3A_328 = arith.index_cast %get3A_327 : i32 to index
        %get3A_329 = arith.index_cast %add3A_305 : i32 to index
        %get3A_330 = arith.constant 48 : index
        %get3A_331 = tpu.vector_load %arg8[%get3A_328, %get3A_329, %get3A_330] {strides = array<i32>} : memref<4x128x64xf32, #tpu.memory_space<vmem>>, vector<1x1x16xf32>,
        %get3A_332 = vector.shape_cast %get3A_331 : vector<1x1x16xf32> to vector<16xf32>
        %add3A_333 = arith.addf %add3A_301, %get3A_332 : vector<16xf32>
        scf.yield %add3A_312, %add3A_319, %add3A_326, %add3A_333 : vector<16xf32>, vector<16xf32>, vector<16xf32>, vector<16xf32>
      }
      %scan3A_194 = arith.constant 32 : i32
      %add3A_195 = arith.constant 4 : i32
      %add3A_196 = arith.addi %add3A_173, %add3A_195 : i32
      %lt3A_197 = arith.constant 196 : i32
      %lt3A_198 = arith.cmpi slt, %add3A_196, %lt3A_197 : i32
      %convert_element_type3A_199 = arith.extui %lt3A_198 : i1 to i32
      %cond3A_200 = arith.constant 0 : i32
      %cond3A_201 = arith.cmpi ne, %convert_element_type3A_199, %cond3A_200 : i32
      scf.if %cond3A_201 {
        %add3A_202 = arith.constant 4 : i32
        %add3A_203 = arith.addi %add3A_173, %add3A_202 : i32
        %mul3A_204 = arith.constant 128 : i32
        %mul3A_205 = arith.muli %add3A_203, %mul3A_204 : i32
        %dma_start3A_206 = arith.constant 3 : i32
        %dma_start3A_207 = arith.constant 0 : i32
        %dma_start3A_208 = arith.constant 0 : i32
        %dma_start3A_209 = tpu.memref_slice %arg8[%dma_start3A_206, %dma_start3A_207, %dma_start3A_208] : memref<4x128x64xf32, #tpu.memory_space<vmem>> -> memref<1x128x64xf32, #tpu.memory_space<vmem>>
        %dma_start3A_210 = tpu.memref_squeeze %dma_start3A_209 : memref<1x128x64xf32, #tpu.memory_space<vmem>> -> memref<128x64xf32, #tpu.memory_space<vmem>>
        %dma_start3A_211 = tpu.memref_slice %arg7[%mul3A_205] : memref<25088xi32, #tpu.memory_space<vmem>> -> memref<128xi32, #tpu.memory_space<vmem>>
        %dma_start3A_212 = arith.constant 0 : i32
        %dma_start3A_213 = arith.constant 0 : i32
        %dma_start3A_214 = tpu.memref_slice %arg3[%dma_start3A_212, %dma_start3A_213] : memref<1000000x64xf32, #tpu.memory_space<hbm>> -> memref<1000000x64xf32, #tpu.memory_space<hbm>>
        tpu.enqueue_indirect_dma source(%dma_start3A_214 : memref<1000000x64xf32, #tpu.memory_space<hbm>>) target(%dma_start3A_210 : memref<128x64xf32, #tpu.memory_space<vmem>>) offsets(%dma_start3A_211 : memref<128xi32, #tpu.memory_space<vmem>>) semaphore(%arg13 : memref<!tpu.dma_semaphore, #tpu.memory_space<semaphore_mem>>)
      } else {
      }
      scf.yield %scan3A_193#0, %scan3A_193#1, %scan3A_193#2, %scan3A_193#3 : vector<16xf32>, vector<16xf32>, vector<16xf32>, vector<16xf32>
    }
    %scan3A_57 = arith.constant 49 : i32
    %swap3A = arith.constant 0 : index
    %swap3A_58 = tpu.vector_load %arg9[%swap3A] {strides = array<i32>} : memref<64xf32, #tpu.memory_space<vmem>>, vector<16xf32>,
    %swap3A_59 = vector.shape_cast %swap3A_58 : vector<16xf32> to vector<16xf32>
    %swap3A_60 = vector.shape_cast %scan3A_56#0 : vector<16xf32> to vector<16xf32>
    tpu.vector_store %arg9[%swap3A], %swap3A_60 {strides = array<i32>} : memref<64xf32, #tpu.memory_space<vmem>>, vector<16xf32>,
    %swap3A_61 = arith.constant 16 : index
    %swap3A_62 = tpu.vector_load %arg9[%swap3A_61] {strides = array<i32>} : memref<64xf32, #tpu.memory_space<vmem>>, vector<16xf32>,
    %swap3A_63 = vector.shape_cast %swap3A_62 : vector<16xf32> to vector<16xf32>
    %swap3A_64 = vector.shape_cast %scan3A_56#1 : vector<16xf32> to vector<16xf32>
    tpu.vector_store %arg9[%swap3A_61], %swap3A_64 {strides = array<i32>} : memref<64xf32, #tpu.memory_space<vmem>>, vector<16xf32>,
    %swap3A_65 = arith.constant 32 : index
    %swap3A_66 = tpu.vector_load %arg9[%swap3A_65] {strides = array<i32>} : memref<64xf32, #tpu.memory_space<vmem>>, vector<16xf32>,
    %swap3A_67 = vector.shape_cast %swap3A_66 : vector<16xf32> to vector<16xf32>
    %swap3A_68 = vector.shape_cast %scan3A_56#2 : vector<16xf32> to vector<16xf32>
    tpu.vector_store %arg9[%swap3A_65], %swap3A_68 {strides = array<i32>} : memref<64xf32, #tpu.memory_space<vmem>>, vector<16xf32>,
    %swap3A_69 = arith.constant 48 : index
    %swap3A_70 = tpu.vector_load %arg9[%swap3A_69] {strides = array<i32>} : memref<64xf32, #tpu.memory_space<vmem>>, vector<16xf32>,
    %swap3A_71 = vector.shape_cast %swap3A_70 : vector<16xf32> to vector<16xf32>
    %swap3A_72 = vector.shape_cast %scan3A_56#3 : vector<16xf32> to vector<16xf32>
    tpu.vector_store %arg9[%swap3A_69], %swap3A_72 {strides = array<i32>} : memref<64xf32, #tpu.memory_space<vmem>>, vector<16xf32>,
    "tpu.region"() ({
      %run_scoped3A = tpu.sem_alloc : memref<!tpu.dma_semaphore, #tpu.memory_space<semaphore_mem>>
      %dma_start3A_73 = arith.constant 0 : i32
      %dma_start3A_74 = tpu.memref_slice %arg5[%add3A, %dma_start3A_73] : memref<32x64xf32, #tpu.memory_space<hbm>> -> memref<1x64xf32, #tpu.memory_space<hbm>>
      %dma_start3A_75 = tpu.memref_squeeze %dma_start3A_74 : memref<1x64xf32, #tpu.memory_space<hbm>> -> memref<64xf32, #tpu.memory_space<hbm>>
      %dma_start3A_76 = arith.constant 0 : i32
      %dma_start3A_77 = tpu.memref_slice %arg5[%add3A, %dma_start3A_76] : memref<32x64xf32, #tpu.memory_space<hbm>> -> memref<1x64xf32, #tpu.memory_space<hbm>>
      %dma_start3A_78 = tpu.memref_squeeze %dma_start3A_77 : memref<1x64xf32, #tpu.memory_space<hbm>> -> memref<64xf32, #tpu.memory_space<hbm>>
      tpu.enqueue_dma source(%arg9 : memref<64xf32, #tpu.memory_space<vmem>>) target(%dma_start3A_78 : memref<64xf32, #tpu.memory_space<hbm>>) target_semaphore(%run_scoped3A : memref<!tpu.dma_semaphore, #tpu.memory_space<semaphore_mem>>)
      %dma_wait3A = arith.constant 0 : i32
      %dma_wait3A_79 = tpu.memref_slice %arg5[%add3A, %dma_wait3A] : memref<32x64xf32, #tpu.memory_space<hbm>> -> memref<1x64xf32, #tpu.memory_space<hbm>>
      %dma_wait3A_80 = tpu.memref_squeeze %dma_wait3A_79 : memref<1x64xf32, #tpu.memory_space<hbm>> -> memref<64xf32, #tpu.memory_space<hbm>>
      %dma_wait3A_81 = arith.constant 0 : i32
      %dma_wait3A_82 = tpu.memref_slice %arg5[%add3A, %dma_wait3A_81] : memref<32x64xf32, #tpu.memory_space<hbm>> -> memref<1x64xf32, #tpu.memory_space<hbm>>
      %dma_wait3A_83 = tpu.memref_squeeze %dma_wait3A_82 : memref<1x64xf32, #tpu.memory_space<hbm>> -> memref<64xf32, #tpu.memory_space<hbm>>
      tpu.wait_dma2 semaphore(%run_scoped3A : memref<!tpu.dma_semaphore, #tpu.memory_space<semaphore_mem>>) src(%arg9 : memref<64xf32, #tpu.memory_space<vmem>>) dst(%dma_wait3A_83 : memref<64xf32, #tpu.memory_space<hbm>>)
      tpu.yield
    }) : () -> ()
    return
  }
}

module attributes {stable_mosaic.version = 14 : i64} {
  func.func @tc_kernel(%arg0: i32, %arg1: memref<1024x64xf32, #tpu.memory_space<vmem>>, %arg2: memref<32x64xf32, #tpu.memory_space<vmem>>, %arg3: memref<64x16xf32, #tpu.memory_space<vmem>>, %arg4: memref<1x16xf32, #tpu.memory_space<vmem>>, %arg5: memref<1024x16xf32, #tpu.memory_space<vmem>>) attributes {dimension_semantics = [#tpu.dimension_semantics<arbitrary>], iteration_bounds = array<i64: 16>, scalar_prefetch = 0 : i64, scratch_operands = 0 : i64, tpu.core_type = #tpu.core_type<tc>, window_params = [{transform_indices = @transform_0, window_bounds = array<i64: 1024, 64>}, {pipeline_mode = #tpu.pipeline_mode<synchronous>, transform_indices = @transform_1, window_bounds = array<i64: 32, 64>}, {pipeline_mode = #tpu.pipeline_mode<synchronous>, transform_indices = @transform_2, window_bounds = array<i64: 64, 16>}, {pipeline_mode = #tpu.pipeline_mode<synchronous>, transform_indices = @transform_3, window_bounds = array<i64: 1, 16>}, {transform_indices = @transform_4, window_bounds = array<i64: 1024, 16>}]} {
    %get3A = arith.constant 0 : index
    %get3A_0 = arith.constant 0 : index
    %get3A_1 = vector.load %arg1[%get3A, %get3A_0] : memref<1024x64xf32, #tpu.memory_space<vmem>>, vector<1024x64xf32>
    %get3A_2 = arith.constant 0 : index
    %get3A_3 = arith.constant 0 : index
    %get3A_4 = vector.load %arg3[%get3A_2, %get3A_3] : memref<64x16xf32, #tpu.memory_space<vmem>>, vector<64x16xf32>
    %dot_general3A = arith.constant dense<0.000000e+00> : vector<1024x16xf32>
    %dot_general3A_5 = tpu.matmul %get3A_1, %get3A_4, %dot_general3A {dimension_numbers = #tpu.dot_dimension_numbers<[1], [0], [0], [1], [0, 0, 1, 1], [], []>, transpose_lhs_hint = false} : vector<1024x64xf32>, vector<64x16xf32>, vector<1024x16xf32> -> vector<1024x16xf32>
    %get3A_6 = arith.constant 0 : index
    %get3A_7 = arith.constant 0 : index
    %get3A_8 = vector.load %arg4[%get3A_6, %get3A_7] : memref<1x16xf32, #tpu.memory_space<vmem>>, vector<1x16xf32>
    %add3A = vector.broadcast %get3A_8 : vector<1x16xf32> to vector<1024x16xf32>
    %add3A_9 = arith.addf %dot_general3A_5, %add3A : vector<1024x16xf32>
    %swap3A = arith.constant 0 : index
    %swap3A_10 = arith.constant 0 : index
    %swap3A_11 = vector.load %arg5[%swap3A, %swap3A_10] : memref<1024x16xf32, #tpu.memory_space<vmem>>, vector<1024x16xf32>
    tpu.vector_store %arg5[%swap3A, %swap3A_10], %add3A_9 {strides = array<i32>} : memref<1024x16xf32, #tpu.memory_space<vmem>>, vector<1024x16xf32>,
    %eq3A = arith.constant 15 : i32
    %eq3A_12 = arith.cmpi eq, %arg0, %eq3A : i32
    %convert_element_type3A = arith.extui %eq3A_12 : i1 to i32
    %cond3A = arith.constant 0 : i32
    %cond3A_13 = arith.cmpi ne, %convert_element_type3A, %cond3A : i32
    scf.if %cond3A_13 {
      %get3A_14 = arith.constant 0 : index
      %get3A_15 = arith.constant 0 : index
      %get3A_16 = vector.load %arg2[%get3A_14, %get3A_15] : memref<32x64xf32, #tpu.memory_space<vmem>>, vector<32x64xf32>
      %reduce_sum3A = arith.constant dense<0.000000e+00> : vector<64xf32>
      %reduce_sum3A_17 = vector.multi_reduction <add>, %get3A_16, %reduce_sum3A [0] : vector<32x64xf32> to vector<64xf32>
      %broadcast_in_dim3A = vector.shape_cast %reduce_sum3A_17 : vector<64xf32> to vector<1x64xf32>
      %get3A_18 = arith.constant 1023 : index
      %get3A_19 = arith.constant 0 : index
      %get3A_20 = vector.load %arg1[%get3A_18, %get3A_19] : memref<1024x64xf32, #tpu.memory_space<vmem>>, vector<1x64xf32>
      %add3A_21 = arith.addf %broadcast_in_dim3A, %get3A_20 : vector<1x64xf32>
      %mul3A = arith.constant 1.24561393E-6 : f32
      %mul3A_22 = vector.broadcast %mul3A : f32 to vector<1x64xf32>
      %mul3A_23 = arith.mulf %add3A_21, %mul3A_22 : vector<1x64xf32>
      %get3A_24 = arith.constant 0 : index
      %get3A_25 = arith.constant 0 : index
      %get3A_26 = vector.load %arg3[%get3A_24, %get3A_25] : memref<64x16xf32, #tpu.memory_space<vmem>>, vector<64x16xf32>
      %dot_general3A_27 = arith.constant dense<0.000000e+00> : vector<1x16xf32>
      %dot_general3A_28 = tpu.matmul %mul3A_23, %get3A_26, %dot_general3A_27 {dimension_numbers = #tpu.dot_dimension_numbers<[1], [0], [0], [1], [0, 0, 1, 1], [], []>, transpose_lhs_hint = false} : vector<1x64xf32>, vector<64x16xf32>, vector<1x16xf32> -> vector<1x16xf32>
      %get3A_29 = arith.constant 0 : index
      %get3A_30 = arith.constant 0 : index
      %get3A_31 = vector.load %arg4[%get3A_29, %get3A_30] : memref<1x16xf32, #tpu.memory_space<vmem>>, vector<1x16xf32>
      %add3A_32 = arith.addf %dot_general3A_28, %get3A_31 : vector<1x16xf32>
      %swap3A_33 = arith.constant 1023 : index
      %swap3A_34 = arith.constant 0 : index
      %swap3A_35 = vector.load %arg5[%swap3A_33, %swap3A_34] : memref<1024x16xf32, #tpu.memory_space<vmem>>, vector<1x16xf32>
      tpu.vector_store %arg5[%swap3A_33, %swap3A_34], %add3A_32 {strides = array<i32>} : memref<1024x16xf32, #tpu.memory_space<vmem>>, vector<1x16xf32>,
    } else {
    }
    return
  }
  func.func @transform_0(%arg0: i32) -> (i32, i32) {
    %c0_i32 = arith.constant 0 : i32
    %c0_i32_0 = arith.constant 0 : i32
    return %arg0, %c0_i32 : i32, i32
  }
  func.func @transform_1(%arg0: i32) -> (i32, i32) {
    %c0_i32 = arith.constant 0 : i32
    %c0_i32_0 = arith.constant 0 : i32
    %c0_i32_1 = arith.constant 0 : i32
    return %c0_i32, %c0_i32_0 : i32, i32
  }
  func.func @transform_2(%arg0: i32) -> (i32, i32) {
    %c0_i32 = arith.constant 0 : i32
    %c0_i32_0 = arith.constant 0 : i32
    %c0_i32_1 = arith.constant 0 : i32
    return %c0_i32, %c0_i32_0 : i32, i32
  }
  func.func @transform_3(%arg0: i32) -> (i32, i32) {
    %c0_i32 = arith.constant 0 : i32
    %c0_i32_0 = arith.constant 0 : i32
    %c0_i32_1 = arith.constant 0 : i32
    return %c0_i32, %c0_i32_0 : i32, i32
  }
  func.func @transform_4(%arg0: i32) -> (i32, i32) {
    %c0_i32 = arith.constant 0 : i32
    %c0_i32_0 = arith.constant 0 : i32
    return %arg0, %c0_i32 : i32, i32
  }
}

</mosaic_0001>

<sc_bundles>
// kernel: kernel.4.cloned.1.call-start
scs
__scs_entry_jumppad:
0x0: {  	(pc) =	sbr.rel $0x88, $3  }
0x1: {  	(tag) =	ssettag $0x0;
	lr =	simm.s32 $0x1  }
0x2: {  	[smem:$0x3F9D] =	sst lr;
	_ =	strace $0xD0000000  }
0x3: {  	_ = 	snop  }
0x4: {  	_ = 	snop  }
0x5: {  	_ = 	snop  }
0x6: {  	_ = 	snop  }
0x7: {  	_ = 	snop  }
__scs_overlays_trampoline_lowered:
0x8: {  	[smem:$0x3FAC] =	sst s0  }
0x9: {  	[smem:$0x3FAD] =	sst s1  }
0xa: {  	[smem:$0x3FAE] =	sst s2  }
0xb: {  	[smem:$0x3FAF] =	sst s3  }
0xc: {  	[smem:$0x3FB0] =	sst s4  }
0xd: {  	[smem:$0x3FB1] =	sst s5  }
0xe: {  	[smem:$0x3FB2] =	sst s6  }
0xf: {  	[smem:$0x3FB3] =	sst s7  }
0x10: {  	[smem:$0x3FB4] =	sst s8  }
0x11: {  	[smem:$0x3FB5] =	sst s9;
	s0 =	simm.s32 @!p0 $0x0  }
0x12: {  	s1 =	sld [smem:$0x3F9B];
	s0 =	simm.s32 @p0 $0x1  }
0x13: {  	[smem:$0x3FB6] =	sst s0;
	s0 =	simm.s32 @!p1 $0x0  }
0x14: {  	s2 =	sld [smem:$0x3F9A];
	s0 =	simm.s32 @p1 $0x1  }
0x15: {  	[smem:$0x3FB7] =	sst s0;
	s0 =	simm.s32 @!p2 $0x0  }
0x16: {  	s3 =	sld [smem:$0x3FDB];
	s0 =	simm.s32 @p2 $0x1  }
0x17: {  	s4 =	simm.s32 $0x1BF5;
	[smem:$0x3FB9] =	sst s0  }
0x18: {  	s0 =	sld [smem:$0x3F9C];
	_ =	swait.ge [sflag:s4], $0x0  }
0x19: {  	s7 =	sld [smem:$0x3F9D]  }
0x1a: {  	s8 =	sadd.s32 $0xFFFFE003, lr  }
0x1b: {  	s9 =	sadd.s32 $0xFFFFFEF7, lr;
	s5 =	simm.s32 $0xFFFFFFFF;
	p2 =	slt.u32 s8, $0xFFFFF086  }
0x1c: {  	p1 =	slt.u32 s9, $0xF7A;
	s5 =	simm.s32 @!p2 $0x0  }
0x1d: {  	s5 =	simm.s32 @p1 $0x1;
	p0 =	seq.s32 s7, s2  }
0x1e: {  	s7 =	smul.u32 @!p0 $0xF7A, s2;
	p2 =	seq.s32 @!p0 s5, $0x0  }
0x1f: {  	s9 =	smul.u32 $0xF7A, s1;
	s8 =	simm.s32 @!p0 $0x1BF5;
	p2 =	por !p2, p0  }
0x20: {  	[sflag:s8] =	ssyncset.s32 @!p0 $0xFFFFF086;
	s6 =	sadd.s32 @!p0 s3, s7;
	s7 =	simm.s32 @!p0 $0x108  }
0x21: {  	s3 =	sadd.s32 s3, s9;
	s6 =	sadd.s32 @!p0 $0x88, s6;
	s7 =	simm.s32 @p2 $0x1082  }
0x22: {  	[simem:s7], [sflag:s8] =	dma.local @!p0 [hbm:s6], $0xF7A  }
0x23: {  	s9 =	sor.u32 $0xD0000000, s2;
	s6 =	simm.s32 $0x108;
	_ =	swait.ge @!p0 [sflag:s8], $0x0  }
0x24: {  	s3 =	sadd.s32 $0x88, s3;
	s6 =	simm.s32 @!p1 $0x1082;
	[sflag:s4] =	ssyncset.s32 $0xFFFFF086  }
0x25: {  	[simem:s6], [sflag:s4] =	dma.local [hbm:s3], $0xF7A  }
0x26: {  	[smem:$0x3F9D] =	sst s1;
	(tag) =	ssettag s2;
	_ =	strace s9  }
0x27: {  	s1 =	sld [smem:$0x3FAD]  }
0x28: {  	s2 =	sld [smem:$0x3FAE]  }
0x29: {  	s4 =	sld [smem:$0x3FB0]  }
0x2a: {  	p0 =	seq.s32 s5, $0x0;
	s5 =	sld [smem:$0x3FB1]  }
0x2b: {  	s6 =	sld [smem:$0x3FB2]  }
0x2c: {  	s7 =	sld [smem:$0x3FB3]  }
0x2d: {  	s3 =	simm.s32 $0x108;
	s8 =	sld [smem:$0x3FB4]  }
0x2e: {  	s3 =	simm.s32 @!p0 $0x1082;
	s9 =	sld [smem:$0x3FB5]  }
0x2f: {  	lr =	sadd.s32 s0, s3;
	s0 =	sld [smem:$0x3FAC]  }
0x30: {  	s3 =	sld [smem:$0x3FAF]  }
0x31: {  	[smem:$0x3FB8] =	sst s10  }
0x32: {  	s10 =	sld [smem:$0x3FB6];
	_ =	sdelay $0x3  }
0x33: {  	p0 =	seq.s32 s10, $0x1;
	s10 =	sld [smem:$0x3FB8];
	_ =	sdelay $0x3  }
0x34: {  	[smem:$0x3FB8] =	sst s10  }
0x35: {  	s10 =	sld [smem:$0x3FB7];
	_ =	sdelay $0x3  }
0x36: {  	p1 =	seq.s32 s10, $0x1;
	s10 =	sld [smem:$0x3FB8];
	_ =	sdelay $0x3  }
0x37: {  	[smem:$0x3FB8] =	sst s10  }
0x38: {  	s10 =	sld [smem:$0x3FB9]  }
0x39: {  	_ = 	snop;
	(pc) =	sbr.ind lr, $3  }
0x3a: {  	_ = 	snop  }
0x3b: {  	_ = 	snop  }
0x3c: {  	p2 =	seq.s32 s10, $0x1;
	s10 =	sld [smem:$0x3FB8]  }
0x3d: {  	_ =	shalt  }
0x3e: {  	_ =	shalt  }
0x3f: {  	_ =	shalt  }
0x40: {  	_ =	shalt  }
0x41: {  	_ =	shalt  }
0x42: {  	_ =	shalt  }
0x43: {  	_ =	shalt  }
0x44: {  	_ =	shalt  }
0x45: {  	_ =	shalt  }
0x46: {  	_ =	shalt  }
0x47: {  	_ =	shalt  }
0x48: {  	_ =	shalt  }
0x49: {  	_ =	shalt  }
0x4a: {  	_ =	shalt  }
0x4b: {  	_ =	shalt  }
0x4c: {  	_ =	shalt  }
0x4d: {  	_ =	shalt  }
0x4e: {  	_ =	shalt  }
0x4f: {  	_ =	shalt  }
0x50: {  	_ =	shalt  }
0x51: {  	_ =	shalt  }
0x52: {  	_ =	shalt  }
0x53: {  	_ =	shalt  }
0x54: {  	_ =	shalt  }
0x55: {  	_ =	shalt  }
0x56: {  	_ =	shalt  }
0x57: {  	_ =	shalt  }
0x58: {  	_ =	shalt  }
0x59: {  	_ =	shalt  }
0x5a: {  	_ =	shalt  }
0x5b: {  	_ =	shalt  }
0x5c: {  	_ =	shalt  }
0x5d: {  	_ =	shalt  }
0x5e: {  	_ =	shalt  }
0x5f: {  	_ =	shalt  }
0x60: {  	_ =	shalt  }
0x61: {  	_ =	shalt  }
0x62: {  	_ =	shalt  }
0x63: {  	_ =	shalt  }
0x64: {  	_ =	shalt  }
0x65: {  	_ =	shalt  }
0x66: {  	_ =	shalt  }
0x67: {  	_ =	shalt  }
0x68: {  	_ =	shalt  }
0x69: {  	_ =	shalt  }
0x6a: {  	_ =	shalt  }
0x6b: {  	_ =	shalt  }
0x6c: {  	_ =	shalt  }
0x6d: {  	_ =	shalt  }
0x6e: {  	_ =	shalt  }
0x6f: {  	_ =	shalt  }
0x70: {  	_ =	shalt  }
0x71: {  	_ =	shalt  }
0x72: {  	_ =	shalt  }
0x73: {  	_ =	shalt  }
0x74: {  	_ =	shalt  }
0x75: {  	_ =	shalt  }
0x76: {  	_ =	shalt  }
0x77: {  	_ =	shalt  }
0x78: {  	_ =	shalt  }
0x79: {  	_ =	shalt  }
0x7a: {  	_ =	shalt  }
0x7b: {  	_ =	shalt  }
0x7c: {  	_ =	shalt  }
0x7d: {  	_ =	shalt  }
0x7e: {  	_ =	shalt  }
0x7f: {  	_ =	shalt  }
0x80: {  	_ =	shalt  }
0x81: {  	_ =	shalt  }
0x82: {  	_ =	shalt  }
0x83: {  	_ =	shalt  }
0x84: {  	_ =	shalt  }
0x85: {  	_ =	shalt  }
0x86: {  	_ =	shalt  }
0x87: {  	_ =	shalt  }
.Lfunc_end0:
.L_simem_size_0:
called_computation_lowered:
.L_overlay_start_0:
0x88: {  	s2 =	sld [smem:$0x3FD9]  }
0x89: {  	s3 =	sld [smem:$0x3FFE];
	_ =	sdelay $0x1  }
0x8a: {  	s1 =	srdreg.scid  }
0x8b: {  	s0 =	sand.u32 $0x1, s1  }
0x8c: {  	s17 =	sshll.u32 s0, $0xA;
	s2 =	sadd.s32 s3, s2  }
0x8d: {  	s2 =	sadd.s32 s2, s17  }
0x8e: {  	[smem:$0x3FC4] =	sst s2  }
0x8f: {  	_ = 	snop  }
0x90: {  	s2 =	sld [smem:$0x3FC9]  }
0x91: {  	s18 =	sld [smem:$0x3FD0];
	(tm) =	ssettm $0x1  }
0x92: {  	s4 =	sld [smem:$0x3FFB];
	_ =	sdelay $0x3  }
0x93: {  	_ =	strace s4  }
0x94: {  	s4 =	sld [smem:$0x3FFC];
	_ =	sdelay $0x3  }
0x95: {  	_ =	strace s4  }
0x96: {  	s4 =	sld [smem:$0x3FFD];
	_ =	sdelay $0x3  }
0x97: {  	_ =	strace s4  }
0x98: {  	_ =	strace $0x8FFFFFFF  }
0x99: {  	s19 =	sld [smem:$0x3FDB];
	_ =	sdelay $0x1  }
0x9a: {  	s5 =	simm.s32 $_scs_section_size  }
0x9b: {  	s6 =	simm.s32 $_size__tile_overlayer_lowered;
	s7 =	simm.s32 $_tile_overlayer_lowered  }
0x9c: {  	s22 =	simm.s32 $0x1BFF;
	s21 =	sshll.u32 s7, $0x1;
	s4 =	sadd.s32 s5, s19  }
0x9d: {  	s8 =	simm.s32 $0x0;
	s20 =	sshll.u32 s6, $0x1;
	s6 =	sadd.s32 s21, s4  }
0x9e: {  	[timem:s8], [sflag:s22] =	dma.local [hbm:s6], s20  }
0x9f: {  	_ =	swait.ge [sflag:s22], s20  }
0xa0: {  	s5 =	ssub.s32 $0x0, s20;
	[sflag:s22] =	ssyncset.done $0x0  }
0xa1: {  	[sflag:s22] =	ssyncadd.s32 s5;
	_ =	sdelay $0x1  }
0xa2: {  	s23 =	simm.s32 $0x1B8B  }
0xa3: {  	_ =	swait.ge [sflag:s23], $0x1  }
0xa4: {  	[sflag:s23] =	ssyncset.done $0x0  }
0xa5: {  	s25 =	simm.s32 $0x1B8E;
	s24 =	sld [smem:$0x3FFE];
	[sflag:s23] =	ssyncadd.s32 $0xFFFFFFFF  }
0xa6: {  	s26 =	simm.s32 $execute0_lowered;
	[smem:$0x3FD2] =	sst s25  }
0xa7: {  	s6 =	sshll.u32 s26, $0x1;
	_ =	strace $0x80000046;
	[dreg:$0x1] =	wrdreg $0xFFFFFFFF  }
0xa8: {  	s28 =	simm.s32 $_size_execute0_lowered;
	s4 =	sadd.s32 s4, s6;
	[dreg:$0x0] =	wrdreg $0x0  }
0xa9: {  	s6 =	sshll.u32 s28, $0x1;
	[dreg:$0x2] =	wrdreg s4  }
0xaa: {  	[dreg:$0x3] =	wrdreg s6  }
0xab: {  	[dreg:$0x4] =	wrdreg $0xC0  }
0xac: {  	_ =	task [dreg:s8], $0x5FFFF  }
0xad: {  	[dreg:$0x1] =	wrdreg $0xFFFFFFFF  }
0xae: {  	[dreg:$0x0] =	wrdreg $0x60  }
0xaf: {  	[dreg:$0x2] =	wrdreg s2  }
0xb0: {  	[dreg:$0x3] =	wrdreg s24  }
0xb1: {  	[dreg:$0x4] =	wrdreg s18  }
0xb2: {  	[dreg:$0x5] =	wrdreg $0x9  }
0xb3: {  	_ =	task.clear_ibuf [dreg:s8], $0x6FFFF;
	_ =	strace $0x90000046  }
0xb4: {  	s29 =	simm.s32 $0x9;
	_ =	strace $0x80000048  }
0xb5: {  	_ =	swait.ge [sflag:s29], $0x1  }
0xb6: {  	[sflag:s29] =	ssyncadd.s32 $0xFFFFFFFF  }
0xb7: {  	_ =	strace $0x90000048  }
0xb8: {  	_ =	sfence  }
0xb9: {  	s30 =	sld [smem:$0x0];
	_ =	sdelay $0x2  }
0xba: {  	s31 =	sshll.u32 s1, $0xD;
	s1 =	sshrl.u32 s1, $0x2  }
0xbb: {  	s3 =	sand.u32 $0x4000, s31;
	s1 =	sadd.s32 s1, s30  }
0xbc: {  	s0 =	sor.u32 s3, s0;
	s1 =	sshll.u32 s1, $0x11  }
0xbd: {  	s0 =	sor.u32 s1, s0  }
0xbe: {  	s0 =	sadd.s32 $0x8F2B, s0  }
0xbf: {  	[sflag:s0] =	ssyncadd.remote.s32 $0x1  }
0xc0: {  	_ =	sfence.sel $0xFFFF  }
0xc1: {  	[dreg:$0x0] =	wrdreg $0xFFFFFFFF;
	(pc) =	sbr.abs _section_cstart, $3  }
0xc2: {  	[dreg:$0x1] =	wrdreg $0xFFFFFFFF  }
0xc3: {  	_ =	task.clear_ibuf [dreg:s8], $0x2FFFF;
	_ =	strace $0x9FFFFFFF  }
0xc4: {  	(tm) =	ssettm $0x7FFFFFFF  }
0xc5: {  	_ =	shalt  }
tec
execute0_lowered:
.L_overlay_start_1:
0x0: {  	(tag) =	ssettag $0x1  }
0x1: {  	s0 =	rddreg [dreg:$0x0]  }
0x2: {  	s1 =	rddreg [dreg:$0x1]  }
0x3: {  	s7 =	rddreg [dreg:$0x2];
	s3 =	srdreg.scid  }
0x4: {  	s5 =	stileid.u32;
	s2 =	simm.s32 $0x0;
	s12 =	simm.s32 $0x5  }
0x5: {  	s13 =	simm.s32 $0x200;
	s14 =	simm.s32 $0x80;
	s15 =	simm.s32 $0x6400  }
0x6: {  	s16 =	simm.s32 $0x1;
	s20 =	simm.s32 $0x8400;
	s21 =	simm.s32 $0x300  }
0x7: {  	s22 =	simm.s32 $0xA400;
	s28 =	simm.s32 $0x4;
	s29 =	simm.s32 $0xE400  }
0x8: {  	s30 =	simm.s32 $0x0;
	s4 =	sand.u32 $0x1, s3;
	s23 =	sshll.u32 s5, $0x1  }
0x9: {  	[smem:$0x7FF] =	sst s2;
	s3 =	sadd.s32 $0xF43200, s1;
	s6 =	sor.u32 s4, s23  }
0xa: {  	_ =	strace $0x80000047;
	s4 =	ssub.s32 $0x2, s4;
	s23 =	simm.s32 $0x380  }
0xb: {  	s24 =	smul.u32 $0x6200, s6;
	s8 =	sshll.u32 s6, $0xC;
	s25 =	sshrl.u32 s4, $0x1  }
0xc: {  	s26 =	sshll.u32 s6, $0x6;
	s31 =	sshll.u32 s6, $0x3;
	s1 =	sadd.s32 s8, s1  }
.Ltmp0:
0xd: {  	s8 =	ssub.s32 s4, s25;
	s4 =	sadd.s32 s0, s26;
	(pc) =	sbr.rel .LBB2_1-.Ltmp0, $4  }
0xe: {  	s7 =	sadd.s32 s7, s31;
	s25 =	simm.s32 $0x2;
	s26 =	simm.s32 $0x3  }
0xf: {  	s5 =	sshrl.u32 s24, $0x3;
	s6 =	sadd.s32 $0xE00, s1;
	s8 =	smax.u32 s8, $0x1  }
0x10: {  	s9 =	sadd.s32 $0x1200, s1;
	s10 =	sadd.s32 $0x1600, s1;
	s5 =	sadd.s32 s0, s5  }
0x11: {  	s11 =	sadd.s32 $0x1A00, s1;
	s24 =	simm.s32 $0xC400;
	s5 =	sadd.s32 $0x800, s5  }
.LBB2_12:
0x12: {  	[tilespmem:$0xE400] =	vst v8  }
0x13: {  	[tilespmem:$0xE410] =	vst v2;
	s30 =	sadd.s32 $0x1, s30  }
0x14: {  	[tilespmem:$0xE420] =	vst v6;
	p0 =	sne.s32 s30, s8  }
.Ltmp1:
0x15: {  	[tilespmem:$0xE430] =	vst v4;
	(pc) =	sbr.rel @!p0 .LBB2_13-.Ltmp1, $4  }
0x16: {  	[hbm4b:s7+s2] =	stream.linear.scatter [tilespmem:s29], [sflag:$0x5], $0x40, $0x38;
	[tilespmem:$0xE440] =	vst v63  }
0x17: {  	_ =	swait.ge [sflag:s12], $0x40  }
0x18: {  	[sflag:s12] =	ssyncset.done $0x0  }
0x19: {  	[sflag:s12] =	ssyncadd.s32 $0xFFFFFFC0  }
.LBB2_1:
0x1a: {  	[tilespmem:s2], [sflag:$0x5] =	stream.linear.gather [hbm4b:s4+s2], $0x200, $0x38;
	[tilespmem:$0xE440] =	vst v63  }
0x1b: {  	_ =	swait.ge [sflag:s12], $0x200  }
0x1c: {  	[sflag:s12] =	ssyncset.done $0x0  }
0x1d: {  	[sflag:s12] =	ssyncadd.s32 $0xFFFFFE00  }
0x1e: {  	[tilespmem:s13], [sflag:$0x5] =	stream.linear.gather [hbm4b:s5+s2], $0x6200, $0x38;
	[tilespmem:$0xE440] =	vst v63  }
0x1f: {  	_ =	swait.ge [sflag:s12], $0x6200  }
0x20: {  	[sflag:s12] =	ssyncset.done $0x0  }
0x21: {  	[sflag:s12] =	ssyncadd.s32 $0xFFFF9E00  }
0x22: {  	[tilespmem:s15], [sflag:$0x1] =	stream.indirect.gather [hbm4b:s3+s14], $0x40, s2, s14, $0xb8;
	[tilespmem:$0xE440] =	vst v63  }
0x23: {  	_ =	swait.ge [sflag:s16], $0x2000  }
0x24: {  	[sflag:s16] =	ssyncset.done $0x0  }
0x25: {  	[sflag:s16] =	ssyncadd.s32 $0xFFFFE000  }
0x26: {  	[hbm4b:s6+s2] =	stream.linear.scatter [tilespmem:s15], [sflag:$0x5], $0x2000, $0x38;
	[tilespmem:$0xE440] =	vst v63  }
0x27: {  	_ =	swait.ge [sflag:s12], $0x2000  }
0x28: {  	[sflag:s12] =	ssyncset.done $0x0  }
0x29: {  	[sflag:s12] =	ssyncadd.s32 $0xFFFFE000  }
0x2a: {  	[tilespmem:s15], [sflag:$0x1] =	stream.indirect.gather [hbm4b:s3+s14], $0x40, s14, s14, $0xb8;
	[tilespmem:$0xE440] =	vst v63  }
0x2b: {  	_ =	swait.ge [sflag:s16], $0x2000  }
0x2c: {  	[sflag:s16] =	ssyncset.done $0x0  }
0x2d: {  	[sflag:s16] =	ssyncadd.s32 $0xFFFFE000  }
0x2e: {  	[hbm4b:s9+s2] =	stream.linear.scatter [tilespmem:s15], [sflag:$0x5], $0x2000, $0x38;
	[tilespmem:$0xE440] =	vst v63  }
0x2f: {  	_ =	swait.ge [sflag:s12], $0x2000  }
0x30: {  	[sflag:s12] =	ssyncset.done $0x0  }
0x31: {  	s0 =	simm.s32 $0x100;
	[sflag:s12] =	ssyncadd.s32 $0xFFFFE000  }
0x32: {  	[tilespmem:s15], [sflag:$0x1] =	stream.indirect.gather [hbm4b:s3+s14], $0x40, s0, s14, $0xb8;
	[tilespmem:$0xE440] =	vst v63  }
0x33: {  	_ =	swait.ge [sflag:s16], $0x2000  }
0x34: {  	[sflag:s16] =	ssyncset.done $0x0  }
0x35: {  	[sflag:s16] =	ssyncadd.s32 $0xFFFFE000  }
0x36: {  	[hbm4b:s10+s2] =	stream.linear.scatter [tilespmem:s15], [sflag:$0x5], $0x2000, $0x38;
	[tilespmem:$0xE440] =	vst v63  }
0x37: {  	_ =	swait.ge [sflag:s12], $0x2000  }
0x38: {  	[sflag:s12] =	ssyncset.done $0x0  }
0x39: {  	s18 =	simm.s32 $0x180;
	[sflag:s12] =	ssyncadd.s32 $0xFFFFE000  }
0x3a: {  	[tilespmem:s15], [sflag:$0x1] =	stream.indirect.gather [hbm4b:s3+s14], $0x40, s18, s14, $0xb8;
	[tilespmem:$0xE440] =	vst v63  }
0x3b: {  	_ =	swait.ge [sflag:s16], $0x2000  }
0x3c: {  	[sflag:s16] =	ssyncset.done $0x0  }
0x3d: {  	[sflag:s16] =	ssyncadd.s32 $0xFFFFE000  }
0x3e: {  	[hbm4b:s11+s2] =	stream.linear.scatter [tilespmem:s15], [sflag:$0x5], $0x2000, $0x38;
	[tilespmem:$0xE440] =	vst v63  }
0x3f: {  	_ =	swait.ge [sflag:s12], $0x2000  }
0x40: {  	[sflag:s12] =	ssyncset.done $0x0  }
0x41: {  	[sflag:s12] =	ssyncadd.s32 $0xFFFFE000  }
0x42: {  	[tilespmem:s15], [sflag:$0x1] =	stream.indirect.gather [hbm4b:s3+s14], $0x40, s13, s14, $0xb8;
	[tilespmem:$0xE440] =	vst v63  }
0x43: {  	s19 =	simm.s32 $0x280  }
0x44: {  	[tilespmem:s20], [sflag:$0x2] =	stream.indirect.gather [hbm4b:s3+s14], $0x40, s19, s14, $0xb8;
	[tilespmem:$0xE440] =	vst v63  }
0x45: {  	_ = 	snop  }
0x46: {  	[tilespmem:s22], [sflag:$0x3] =	stream.indirect.gather [hbm4b:s3+s14], $0x40, s21, s14, $0xb8;
	[tilespmem:$0xE440] =	vst v63  }
0x47: {  	v4 =	vimm.f32 $0.0e+00;
	s31 =	simm.s32 $0x0  }
0x48: {  	v6 =	vimm.f32 $0.0e+00;
	v2 =	vimm.f32 $0.0e+00;
	v8 =	vimm.f32 $0.0e+00;
	[tilespmem:s24], [sflag:$0x4] =	stream.indirect.gather [hbm4b:s3+s14], $0x40, s23, s14, $0xb8;
	[tilespmem:$0xE440] =	vst v63  }
.LBB2_2:
0x49: {  	_ =	swait.ge [sflag:s16], $0x2000  }
0x4a: {  	[sflag:s16] =	ssyncset.done $0x0  }
0x4b: {  	s17 =	simm.s32 $0x0;
	[sflag:s16] =	ssyncadd.s32 $0xFFFFE000  }
0x4c: {  	v1 =	vld [tilespmem:s17+$0x64C0]  }
0x4d: {  	v3 =	vld [tilespmem:s17+$0x64D0]  }
0x4e: {  	v5 =	vld [tilespmem:s17+$0x6480]  }
0x4f: {  	v7 =	vld [tilespmem:s17+$0x6490]  }
0x50: {  	v9 =	vld [tilespmem:s17+$0x6440]  }
0x51: {  	v10 =	vld [tilespmem:s17+$0x6450]  }
0x52: {  	v11 =	vld [tilespmem:s17+$0x6400]  }
0x53: {  	v13 =	vld [tilespmem:s17+$0x6410]  }
0x54: {  	s0 =	simm.s32 $0x400;
	v12 =	vld [tilespmem:s17+$0x6420]  }
.LBB2_3:
0x55: {  	p0 =	sne.s32 s0, $0x7C00;
	v0 =	vld [tilespmem:s17+$0x6430]  }
0x56: {  	v14 =	vld [tilespmem:s17+$0x6460]  }
0x57: {  	v15 =	vld [tilespmem:s17+$0x6470]  }
0x58: {  	v16 =	vld [tilespmem:s17+$0x64A0]  }
0x59: {  	v8 =	vadd.f32 v11, v8;
	v2 =	vadd.f32 v13, v2;
	v11 =	vld [tilespmem:s17+$0x64B0]  }
0x5a: {  	v6 =	vadd.f32 v12, v6;
	v0 =	vadd.f32 v0, v4;
	v4 =	vld [tilespmem:s17+$0x64E0]  }
0x5b: {  	v8 =	vadd.f32 v9, v8;
	v2 =	vadd.f32 v10, v2;
	v10 =	vld [tilespmem:s17+$0x64F0];
	s17 =	sshra.s32 s0, $0x2  }
0x5c: {  	v6 =	vadd.f32 v14, v6;
	v12 =	vld [tilespmem:s17+$0x64C0];
	v0 =	vadd.f32 v15, v0  }
0x5d: {  	v8 =	vadd.f32 v5, v8;
	v2 =	vadd.f32 v7, v2;
	v13 =	vld [tilespmem:s17+$0x64D0]  }
0x5e: {  	v6 =	vadd.f32 v16, v6;
	v5 =	vld [tilespmem:s17+$0x6480];
	v0 =	vadd.f32 v11, v0  }
0x5f: {  	v8 =	vadd.f32 v1, v8;
	v2 =	vadd.f32 v3, v2;
	v7 =	vld [tilespmem:s17+$0x6490]  }
.Ltmp2:
0x60: {  	v6 =	vadd.f32 v4, v6;
	v9 =	vld [tilespmem:s17+$0x6440];
	v4 =	vadd.f32 v10, v0;
	(pc) =	sbr.rel @p0 .LBB2_3-.Ltmp2, $4  }
0x61: {  	v10 =	vld [tilespmem:s17+$0x6450];
	v1 =	vmov v12  }
0x62: {  	v11 =	vld [tilespmem:s17+$0x6400];
	v3 =	vmov v13  }
0x63: {  	v13 =	vld [tilespmem:s17+$0x6410]  }
0x64: {  	s0 =	sadd.s32 $0x400, s0;
	v12 =	vld [tilespmem:s17+$0x6420]  }
0x65: {  	v14 =	vld [tilespmem:s17+$0x6430]  }
0x66: {  	v15 =	vld [tilespmem:s17+$0x6460]  }
0x67: {  	v16 =	vld [tilespmem:s17+$0x6470]  }
0x68: {  	v17 =	vld [tilespmem:s17+$0x64A0]  }
0x69: {  	v18 =	vld [tilespmem:s17+$0x64B0];
	s0 =	sshll.u32 s31, $0xB;
	p0 =	seq.s32 s31, $0x30  }
0x6a: {  	v19 =	vld [tilespmem:s17+$0x64E0];
	s1 =	sshrl.u32 @!p0 s0, $0x2  }
0x6b: {  	v20 =	vld [tilespmem:s17+$0x64F0];
	s18 =	simm.s32 @!p0 $0x80;
	s19 =	simm.s32 @!p0 $0x6400;
	s17 =	sadd.s32 @!p0 $0x400, s1  }
0x6c: {  	[tilespmem:s19], [sflag:$0x1] =	stream.indirect.gather @!p0 [hbm4b:s3+s18], $0x40, s17, s18, $0xb8;
	[tilespmem:$0xE440] =	vst v63  }
0x6d: {  	_ =	swait.ge [sflag:s25], $0x2000  }
0x6e: {  	[sflag:s25] =	ssyncset.done $0x0  }
0x6f: {  	s17 =	simm.s32 $0x0;
	[sflag:s25] =	ssyncadd.s32 $0xFFFFE000  }
0x70: {  	v0 =	vld [tilespmem:s17+$0x84C0]  }
0x71: {  	v8 =	vadd.f32 v11, v8;
	v11 =	vadd.f32 v13, v2;
	v2 =	vld [tilespmem:s17+$0x84D0]  }
0x72: {  	v12 =	vadd.f32 v12, v6;
	v13 =	vadd.f32 v14, v4;
	v4 =	vld [tilespmem:s17+$0x8480]  }
0x73: {  	v9 =	vadd.f32 v9, v8;
	v10 =	vadd.f32 v10, v11;
	v6 =	vld [tilespmem:s17+$0x8490]  }
0x74: {  	v11 =	vadd.f32 v15, v12;
	v12 =	vadd.f32 v16, v13;
	v8 =	vld [tilespmem:s17+$0x8440]  }
0x75: {  	v5 =	vadd.f32 v5, v9;
	v9 =	vadd.f32 v7, v10;
	v7 =	vld [tilespmem:s17+$0x8450]  }
0x76: {  	v10 =	vadd.f32 v17, v11;
	v11 =	vld [tilespmem:s17+$0x8400];
	v13 =	vadd.f32 v18, v12  }
0x77: {  	v5 =	vadd.f32 v1, v5;
	v3 =	vadd.f32 v3, v9;
	v12 =	vld [tilespmem:s17+$0x8410]  }
0x78: {  	s18 =	simm.s32 $0x400;
	v9 =	vadd.f32 v19, v10;
	v10 =	vadd.f32 v20, v13;
	v13 =	vld [tilespmem:s17+$0x8420]  }
.LBB2_5:
0x79: {  	p1 =	sne.s32 s18, $0x7C00;
	v1 =	vld [tilespmem:s17+$0x8430]  }
0x7a: {  	v14 =	vld [tilespmem:s17+$0x8460]  }
0x7b: {  	v15 =	vld [tilespmem:s17+$0x8470]  }
0x7c: {  	v16 =	vld [tilespmem:s17+$0x84A0]  }
0x7d: {  	v5 =	vadd.f32 v11, v5;
	v3 =	vadd.f32 v12, v3;
	v11 =	vld [tilespmem:s17+$0x84B0]  }
0x7e: {  	v9 =	vadd.f32 v13, v9;
	v1 =	vadd.f32 v1, v10;
	v10 =	vld [tilespmem:s17+$0x84E0]  }
0x7f: {  	v5 =	vadd.f32 v8, v5;
	v3 =	vadd.f32 v7, v3;
	v7 =	vld [tilespmem:s17+$0x84F0];
	s17 =	sshra.s32 s18, $0x2  }
0x80: {  	v8 =	vadd.f32 v14, v9;
	v12 =	vld [tilespmem:s17+$0x84C0];
	v1 =	vadd.f32 v15, v1  }
0x81: {  	v5 =	vadd.f32 v4, v5;
	v3 =	vadd.f32 v6, v3;
	v13 =	vld [tilespmem:s17+$0x84D0]  }
0x82: {  	v9 =	vadd.f32 v16, v8;
	v4 =	vld [tilespmem:s17+$0x8480];
	v1 =	vadd.f32 v11, v1  }
0x83: {  	v5 =	vadd.f32 v0, v5;
	v3 =	vadd.f32 v2, v3;
	v6 =	vld [tilespmem:s17+$0x8490]  }
.Ltmp3:
0x84: {  	v9 =	vadd.f32 v10, v9;
	v8 =	vld [tilespmem:s17+$0x8440];
	v10 =	vadd.f32 v7, v1;
	(pc) =	sbr.rel @p1 .LBB2_5-.Ltmp3, $4  }
0x85: {  	v7 =	vld [tilespmem:s17+$0x8450];
	v0 =	vmov v12  }
0x86: {  	v11 =	vld [tilespmem:s17+$0x8400];
	v2 =	vmov v13  }
0x87: {  	v12 =	vld [tilespmem:s17+$0x8410]  }
0x88: {  	s18 =	sadd.s32 $0x400, s18;
	v13 =	vld [tilespmem:s17+$0x8420]  }
0x89: {  	v14 =	vld [tilespmem:s17+$0x8430]  }
0x8a: {  	v15 =	vld [tilespmem:s17+$0x8460]  }
0x8b: {  	v16 =	vld [tilespmem:s17+$0x8470]  }
0x8c: {  	v17 =	vld [tilespmem:s17+$0x84A0]  }
0x8d: {  	v18 =	vld [tilespmem:s17+$0x84B0]  }
0x8e: {  	v19 =	vld [tilespmem:s17+$0x84E0]  }
0x8f: {  	v20 =	vld [tilespmem:s17+$0x84F0];
	s17 =	sadd.s32 @!p0 $0x480, s1;
	s18 =	simm.s32 @!p0 $0x80;
	s19 =	simm.s32 @!p0 $0x8400  }
0x90: {  	[tilespmem:s19], [sflag:$0x2] =	stream.indirect.gather @!p0 [hbm4b:s3+s18], $0x40, s17, s18, $0xb8;
	[tilespmem:$0xE440] =	vst v63  }
0x91: {  	_ =	swait.ge [sflag:s26], $0x2000  }
0x92: {  	[sflag:s26] =	ssyncset.done $0x0  }
0x93: {  	s17 =	simm.s32 $0x0;
	[sflag:s26] =	ssyncadd.s32 $0xFFFFE000  }
0x94: {  	v1 =	vld [tilespmem:s17+$0xA4C0]  }
0x95: {  	v11 =	vadd.f32 v11, v5;
	v12 =	vadd.f32 v12, v3;
	v3 =	vld [tilespmem:s17+$0xA4D0]  }
0x96: {  	v9 =	vadd.f32 v13, v9;
	v10 =	vadd.f32 v14, v10;
	v5 =	vld [tilespmem:s17+$0xA480]  }
0x97: {  	v11 =	vadd.f32 v8, v11;
	v12 =	vadd.f32 v7, v12;
	v7 =	vld [tilespmem:s17+$0xA490]  }
0x98: {  	v8 =	vld [tilespmem:s17+$0xA440];
	v9 =	vadd.f32 v15, v9;
	v10 =	vadd.f32 v16, v10  }
0x99: {  	v13 =	vld [tilespmem:s17+$0xA420];
	v4 =	vadd.f32 v4, v11;
	v12 =	vadd.f32 v6, v12  }
0x9a: {  	v11 =	vld [tilespmem:s17+$0xA400];
	v9 =	vadd.f32 v17, v9;
	v10 =	vadd.f32 v18, v10  }
0x9b: {  	v6 =	vld [tilespmem:s17+$0xA450];
	v4 =	vadd.f32 v0, v4;
	v2 =	vadd.f32 v2, v12  }
0x9c: {  	s18 =	simm.s32 $0x400;
	v12 =	vld [tilespmem:s17+$0xA410];
	v9 =	vadd.f32 v19, v9;
	v10 =	vadd.f32 v20, v10  }
.LBB2_7:
0x9d: {  	p1 =	sne.s32 s18, $0x7C00;
	v0 =	vld [tilespmem:s17+$0xA430]  }
0x9e: {  	v14 =	vld [tilespmem:s17+$0xA460]  }
0x9f: {  	v15 =	vld [tilespmem:s17+$0xA470]  }
0xa0: {  	v16 =	vld [tilespmem:s17+$0xA4A0]  }
0xa1: {  	v4 =	vadd.f32 v11, v4;
	v2 =	vadd.f32 v12, v2;
	v11 =	vld [tilespmem:s17+$0xA4B0]  }
0xa2: {  	v9 =	vadd.f32 v13, v9;
	v0 =	vadd.f32 v0, v10;
	v10 =	vld [tilespmem:s17+$0xA4E0]  }
0xa3: {  	v4 =	vadd.f32 v8, v4;
	v2 =	vadd.f32 v6, v2;
	v6 =	vld [tilespmem:s17+$0xA4F0];
	s17 =	sshra.s32 s18, $0x2  }
0xa4: {  	v8 =	vadd.f32 v14, v9;
	v12 =	vld [tilespmem:s17+$0xA4C0];
	v0 =	vadd.f32 v15, v0  }
0xa5: {  	v4 =	vadd.f32 v5, v4;
	v2 =	vadd.f32 v7, v2;
	v13 =	vld [tilespmem:s17+$0xA4D0]  }
0xa6: {  	v9 =	vadd.f32 v16, v8;
	v5 =	vld [tilespmem:s17+$0xA480];
	v0 =	vadd.f32 v11, v0  }
0xa7: {  	v4 =	vadd.f32 v1, v4;
	v2 =	vadd.f32 v3, v2;
	v7 =	vld [tilespmem:s17+$0xA490]  }
.Ltmp4:
0xa8: {  	v9 =	vadd.f32 v10, v9;
	v8 =	vld [tilespmem:s17+$0xA440];
	v10 =	vadd.f32 v6, v0;
	(pc) =	sbr.rel @p1 .LBB2_7-.Ltmp4, $4  }
0xa9: {  	v6 =	vld [tilespmem:s17+$0xA450];
	v1 =	vmov v12  }
0xaa: {  	v11 =	vld [tilespmem:s17+$0xA400];
	v3 =	vmov v13  }
0xab: {  	v12 =	vld [tilespmem:s17+$0xA410]  }
0xac: {  	s18 =	sadd.s32 $0x400, s18;
	v13 =	vld [tilespmem:s17+$0xA420]  }
0xad: {  	v14 =	vld [tilespmem:s17+$0xA430]  }
0xae: {  	v15 =	vld [tilespmem:s17+$0xA460]  }
0xaf: {  	v16 =	vld [tilespmem:s17+$0xA470]  }
0xb0: {  	v17 =	vld [tilespmem:s17+$0xA4A0]  }
0xb1: {  	v18 =	vld [tilespmem:s17+$0xA4B0]  }
0xb2: {  	v19 =	vld [tilespmem:s17+$0xA4E0]  }
0xb3: {  	v20 =	vld [tilespmem:s17+$0xA4F0];
	s1 =	sadd.s32 @!p0 $0x500, s1;
	s17 =	simm.s32 @!p0 $0x80;
	s18 =	simm.s32 @!p0 $0xA400  }
0xb4: {  	[tilespmem:s18], [sflag:$0x3] =	stream.indirect.gather @!p0 [hbm4b:s3+s17], $0x40, s1, s17, $0xb8;
	[tilespmem:$0xE440] =	vst v63  }
0xb5: {  	_ =	swait.ge [sflag:s28], $0x2000  }
0xb6: {  	[sflag:s28] =	ssyncset.done $0x0  }
0xb7: {  	s1 =	simm.s32 $0x0;
	[sflag:s28] =	ssyncadd.s32 $0xFFFFE000  }
0xb8: {  	v11 =	vadd.f32 v11, v4;
	v0 =	vld [tilespmem:s1+$0xC4C0]  }
0xb9: {  	v12 =	vadd.f32 v12, v2;
	v9 =	vadd.f32 v13, v9;
	v2 =	vld [tilespmem:s1+$0xC4D0]  }
0xba: {  	v11 =	vadd.f32 v8, v11;
	v10 =	vadd.f32 v14, v10;
	v4 =	vld [tilespmem:s1+$0xC480]  }
0xbb: {  	v12 =	vadd.f32 v6, v12;
	v6 =	vld [tilespmem:s1+$0xC490];
	v9 =	vadd.f32 v15, v9  }
0xbc: {  	v8 =	vld [tilespmem:s1+$0xC440];
	v11 =	vadd.f32 v5, v11;
	v10 =	vadd.f32 v16, v10  }
0xbd: {  	v5 =	vld [tilespmem:s1+$0xC450];
	v7 =	vadd.f32 v7, v12;
	v9 =	vadd.f32 v17, v9  }
0xbe: {  	v1 =	vadd.f32 v1, v11;
	v11 =	vld [tilespmem:s1+$0xC410];
	v12 =	vadd.f32 v18, v10  }
0xbf: {  	v10 =	vld [tilespmem:s1+$0xC400];
	v3 =	vadd.f32 v3, v7  }
0xc0: {  	s17 =	simm.s32 $0x400;
	v7 =	vadd.f32 v19, v9;
	v9 =	vadd.f32 v20, v12;
	v12 =	vld [tilespmem:s1+$0xC420]  }
.LBB2_9:
0xc1: {  	p1 =	sne.s32 s17, $0x7C00;
	v13 =	vld [tilespmem:s1+$0xC430]  }
0xc2: {  	v14 =	vld [tilespmem:s1+$0xC460]  }
0xc3: {  	v15 =	vld [tilespmem:s1+$0xC470]  }
0xc4: {  	v16 =	vld [tilespmem:s1+$0xC4A0]  }
0xc5: {  	v1 =	vadd.f32 v10, v1;
	v3 =	vadd.f32 v11, v3;
	v10 =	vld [tilespmem:s1+$0xC4B0]  }
0xc6: {  	v7 =	vadd.f32 v12, v7;
	v9 =	vadd.f32 v13, v9;
	v11 =	vld [tilespmem:s1+$0xC4E0]  }
0xc7: {  	v1 =	vadd.f32 v8, v1;
	v3 =	vadd.f32 v5, v3;
	v5 =	vld [tilespmem:s1+$0xC4F0];
	s1 =	sshra.s32 s17, $0x2  }
0xc8: {  	v7 =	vadd.f32 v14, v7;
	v12 =	vld [tilespmem:s1+$0xC4C0];
	v8 =	vadd.f32 v15, v9  }
0xc9: {  	v1 =	vadd.f32 v4, v1;
	v3 =	vadd.f32 v6, v3;
	v13 =	vld [tilespmem:s1+$0xC4D0]  }
0xca: {  	v7 =	vadd.f32 v16, v7;
	v4 =	vld [tilespmem:s1+$0xC480];
	v9 =	vadd.f32 v10, v8  }
0xcb: {  	v1 =	vadd.f32 v0, v1;
	v3 =	vadd.f32 v2, v3;
	v6 =	vld [tilespmem:s1+$0xC490]  }
.Ltmp5:
0xcc: {  	v7 =	vadd.f32 v11, v7;
	v8 =	vld [tilespmem:s1+$0xC440];
	v9 =	vadd.f32 v5, v9;
	(pc) =	sbr.rel @p1 .LBB2_9-.Ltmp5, $4  }
0xcd: {  	v5 =	vld [tilespmem:s1+$0xC450];
	v0 =	vmov v12  }
0xce: {  	v10 =	vld [tilespmem:s1+$0xC400];
	v2 =	vmov v13  }
0xcf: {  	v11 =	vld [tilespmem:s1+$0xC410]  }
0xd0: {  	s17 =	sadd.s32 $0x400, s17;
	v12 =	vld [tilespmem:s1+$0xC420]  }
0xd1: {  	v13 =	vld [tilespmem:s1+$0xC430]  }
0xd2: {  	v14 =	vld [tilespmem:s1+$0xC460]  }
0xd3: {  	v15 =	vld [tilespmem:s1+$0xC470]  }
0xd4: {  	v16 =	vld [tilespmem:s1+$0xC4A0]  }
0xd5: {  	v1 =	vadd.f32 v10, v1;
	v10 =	vld [tilespmem:s1+$0xC4B0];
	v3 =	vadd.f32 v11, v3  }
0xd6: {  	v11 =	vld [tilespmem:s1+$0xC4E0];
	v7 =	vadd.f32 v12, v7;
	v9 =	vadd.f32 v13, v9  }
0xd7: {  	v1 =	vadd.f32 v8, v1;
	v3 =	vadd.f32 v5, v3;
	v5 =	vld [tilespmem:s1+$0xC4F0]  }
.Ltmp6:
0xd8: {  	v7 =	vadd.f32 v14, v7;
	v8 =	vadd.f32 v15, v9;
	(pc) =	sbr.rel @p0 .LBB2_12-.Ltmp6, $4  }
0xd9: {  	v1 =	vadd.f32 v4, v1;
	v3 =	vadd.f32 v6, v3  }
0xda: {  	v4 =	vadd.f32 v16, v7;
	v7 =	vadd.f32 v10, v8  }
0xdb: {  	v8 =	vadd.f32 v0, v1;
	v2 =	vadd.f32 v2, v3  }
0xdc: {  	v6 =	vadd.f32 v11, v4;
	v4 =	vadd.f32 v5, v7  }
.Ltmp7:
0xdd: {  	(pc) =	sbr.rel .LBB2_2-.Ltmp7, $4  }
0xde: {  	_ = 	snop  }
0xdf: {  	s0 =	sshrl.u32 s0, $0x2  }
0xe0: {  	s31 =	sadd.s32 $0x1, s31;
	s0 =	sadd.s32 $0x580, s0  }
0xe1: {  	[tilespmem:s24], [sflag:$0x4] =	stream.indirect.gather [hbm4b:s3+s14], $0x40, s0, s14, $0xb8;
	[tilespmem:$0xE440] =	vst v63  }
.LBB2_13:
0xe2: {  	_ =	sfence.sel $0x180000  }
0xe3: {  	[bflag:$0x0] =	sbarrier.arrive $0xFFFF  }
0xe4: {  	_ =	strace $0x90000047  }
0xe5: {  	s0 =	stileid.u32;
	[bflag:$0x2] =	sbarrier.arrive $0xFFFF  }
0xe6: {  	p0 =	sne.s32 s0, $0x0;
	s0 =	rddreg [dreg:$0x3]  }
0xe7: {  	s0 =	sadd.s32 @!p0 $0x100000, s0  }
0xe8: {  	[sflag:s0] =	ssyncadd.tile.s32 @!p0 $0x1;
	_ =	shalt  }
.Lfunc_end2:
_tile_overlayer_lowered:
.L_overlay_start_2:
0xe9: {  	(tag) =	ssettag $0x2  }
0xea: {  	s0 =	rddreg [dreg:$0x0];
	s2 =	stileid.u32  }
0xeb: {  	s1 =	rddreg [dreg:$0x1];
	p0 =	sne.s32 s2, $0x0  }
0xec: {  	s3 =	rddreg [dreg:$0x2];
	[bflag:$0x3] =	sbarrier.arrive $0xFFFF;
	s2 =	simm.s32 @!p0 $0x1C05  }
0xed: {  	[timem:s3], [sflag:s2] =	dma.local @!p0 [hbm:s0], s1  }
0xee: {  	s0 =	simm.s32 @!p0 $0x5  }
0xef: {  	_ =	swait.ge @!p0 [sflag:s0], s1  }
0xf0: {  	s1 =	ssub.s32 @!p0 $0x0, s1;
	[sflag:s0] =	ssyncset.done @!p0 $0x0  }
0xf1: {  	[sflag:s0] =	ssyncadd.s32 @!p0 s1  }
0xf2: {  	[bflag:$0x3] =	sbarrier.arrive $0xFFFF  }
0xf3: {  	_ =	shalt  }

</sc_bundles>
